<compile_context>
chip_gen: v7x
topology: tpu7x:2x2x1
jax: 0.10.2.dev20260603
libtpu: 0.0.44.dev20260713+nightly
codegen_flags: <defaults>
</compile_context>

<pallas_src>
import functools

import jax
import jax.numpy as jnp
from jax import lax
from jax.experimental import pallas as pl
from jax.experimental.pallas import tpu as pltpu
from jax.experimental.pallas import tpu_sc as plsc

_PNUM = 128
_BATCH = 1024
_NCHUNK = _PNUM // 16


def _smooth_l1_sum(p, g, acc):
    d = p - g
    ad = jnp.abs(d)
    m = jnp.minimum(ad, 1.0)
    return acc + m * (ad - 0.5 * m)


def _make_sc_kernel(n_workers, b_per_w):
    mesh = plsc.VectorSubcoreMesh(core_axis_name="c", subcore_axis_name="s")

    @functools.partial(
        pl.kernel,
        mesh=mesh,
        out_type=jax.ShapeDtypeStruct((n_workers, 16), jnp.float32),
        scratch_types=[
            pltpu.VMEM((b_per_w * _PNUM,), jnp.float32),
            pltpu.VMEM((b_per_w * _PNUM,), jnp.float32),
            pltpu.VMEM((b_per_w * 2 * _PNUM,), jnp.float32),
            pltpu.VMEM((b_per_w * 2 * _PNUM,), jnp.float32),
            pltpu.VMEM((16,), jnp.float32),
        ],
        compiler_params=pltpu.CompilerParams(needs_layout_passes=False),
    )
    def sc_kernel(px_hbm, py_hbm, gx_hbm, gy_hbm, out_hbm,
                  px_v, py_v, gx_v, gy_v, out_v):
        nc = 2
        wid = lax.axis_index("s") * nc + lax.axis_index("c")
        base = wid * b_per_w
        pltpu.sync_copy(px_hbm.at[pl.ds(base * _PNUM, b_per_w * _PNUM)], px_v)
        pltpu.sync_copy(py_hbm.at[pl.ds(base * _PNUM, b_per_w * _PNUM)], py_v)
        pltpu.sync_copy(
            gx_hbm.at[pl.ds(base * 2 * _PNUM, b_per_w * 2 * _PNUM)], gx_v)
        pltpu.sync_copy(
            gy_hbm.at[pl.ds(base * 2 * _PNUM, b_per_w * 2 * _PNUM)], gy_v)

        lane = jnp.arange(16, dtype=jnp.int32)

        @plsc.parallel_loop(0, b_per_w, carry=jnp.float32(0.0))
        def bacc(b, bacc):
            px = [px_v[pl.ds(b * _PNUM + c * 16, 16)] for c in range(_NCHUNK)]
            py = [py_v[pl.ds(b * _PNUM + c * 16, 16)] for c in range(_NCHUNK)]
            gbase = b * 2 * _PNUM

            def shift_body(i, smin):
                idx0 = gbase + i + lane
                acc = jnp.zeros((16,), jnp.float32)
                for c in range(_NCHUNK):
                    idx = idx0 + c * 16
                    gx = plsc.load_gather(gx_v, [idx])
                    gy = plsc.load_gather(gy_v, [idx])
                    acc = _smooth_l1_sum(px[c], gx, acc)
                    acc = _smooth_l1_sum(py[c], gy, acc)
                return jnp.minimum(smin, jnp.sum(acc))

            smin = lax.fori_loop(0, _PNUM, shift_body,
                                 jnp.float32(jnp.inf))
            return bacc + smin

        out_v[...] = jnp.zeros((16,), jnp.float32) + bacc
        pltpu.sync_copy(out_v, out_hbm.at[wid])

    return sc_kernel


@jax.jit
def kernel(pred, gt):
    n_workers = 32
    b_per_w = _BATCH // n_workers
    px = pred[:, :, 0].reshape(-1)
    py = pred[:, :, 1].reshape(-1)
    gt2 = jnp.concatenate([gt, gt], axis=1)
    gx = gt2[:, :, 0].reshape(-1)
    gy = gt2[:, :, 1].reshape(-1)
    partials = _make_sc_kernel(n_workers, b_per_w)(px, py, gx, gy)
    return jnp.sum(partials[:, 0]) * (1.0 / (_BATCH * _PNUM))

# --- scband reference (transcript-rebuilt; emitter-appended) ---
"""Pipeline reference for scband-text-loss-42262478192859 (READ-ONLY COPY).

The authoritative reference and input builder live on the scoring server;
editing this copy changes nothing except your own understanding.
"""

import jax, jax.numpy as jnp
import numpy as np

PNUM = 128
BATCH = 1024


def _smooth_l1(pred, gt):
    d = pred - gt
    ad = jnp.abs(d)
    return jnp.where(ad < 1.0, 0.5 * d * d, ad - 0.5)


def _match_loss(pred, gt):
    # pidxall[i, j] = (j + i) % pnum ; gather gt along point dim (cyclic shifts)
    pnum = PNUM
    idx = (jnp.arange(pnum)[None, :] + jnp.arange(pnum)[:, None]) % pnum  # [pnum, pnum]
    gt_expand = gt[:, idx, :]            # [B, pnum, pnum, 2]
    pred_expand = pred[:, None, :, :]    # [B, 1, pnum, 2]
    dis = _smooth_l1(pred_expand, gt_expand)  # [B, pnum, pnum, 2]
    dis = dis.sum(axis=3).mean(axis=2)        # [B, pnum]
    min_dis = jnp.min(dis, axis=1, keepdims=True)  # [B, 1]
    return min_dis


def setup_inputs(seed: int = 0) -> dict:
    key = jax.random.key(seed)
    k1, k2 = jax.random.split(key)
    pred = jax.random.normal(k1, (BATCH, PNUM, 2), dtype=jnp.float32)
    gt = jax.random.normal(k2, (BATCH, PNUM, 2), dtype=jnp.float32)
    return {"pred": pred, "gt": gt}


def reference(pred, gt):
    # TextLoss.PolyMatchingLoss forward with pred_list = [pred]
    loss = jnp.mean(_match_loss(pred, gt))
    return loss / 1.0

if __name__ == "__main__":
    import jax
    _d = setup_inputs()
    print(jax.jit(kernel)(*tuple(_d.values())))

</pallas_src>

<mosaic_0001>
#map = affine_map<(d0, d1) -> (0)>
#map1 = affine_map<(d0, d1) -> (0, 0)>
module attributes {stable_mosaic.version = 14 : i64} {
  func.func @sc_kernel(%arg0: i32, %arg1: i32, %arg2: memref<131072xf32, #tpu.memory_space<hbm>>, %arg3: memref<131072xf32, #tpu.memory_space<hbm>>, %arg4: memref<262144xf32, #tpu.memory_space<hbm>>, %arg5: memref<262144xf32, #tpu.memory_space<hbm>>, %arg6: memref<32x16xf32, #tpu.memory_space<hbm>>, %arg7: memref<4096xf32, #tpu.memory_space<vmem>>, %arg8: memref<4096xf32, #tpu.memory_space<vmem>>, %arg9: memref<8192xf32, #tpu.memory_space<vmem>>, %arg10: memref<8192xf32, #tpu.memory_space<vmem>>, %arg11: memref<16xf32, #tpu.memory_space<vmem>>) attributes {dimension_semantics = [#tpu.dimension_semantics<core_parallel>, #tpu.dimension_semantics<subcore_parallel>], iteration_bounds = array<i64: 2, 16>, scalar_prefetch = 0 : i64, scratch_operands = 5 : i64, tpu.core_type = #tpu.core_type<sc_vector_subcore>, window_params = [{transform_indices = #map}, {transform_indices = #map}, {transform_indices = #map}, {transform_indices = #map}, {transform_indices = #map1}]} {
    %mul3A = arith.constant 2 : i32
    %mul3A_0 = arith.muli %arg1, %mul3A : i32
    %add3A = arith.addi %mul3A_0, %arg0 : i32
    %mul3A_1 = arith.constant 32 : i32
    %mul3A_2 = arith.muli %add3A, %mul3A_1 : i32
    %mul3A_3 = arith.constant 128 : i32
    %mul3A_4 = arith.muli %mul3A_2, %mul3A_3 : i32
    "tpu.region"() ({
      %run_scoped3A = tpu.sem_alloc : memref<!tpu.dma_semaphore, #tpu.memory_space<semaphore_mem>>
      %dma_start3A = tpu.memref_slice %arg2[%mul3A_4] : memref<131072xf32, #tpu.memory_space<hbm>> -> memref<4096xf32, #tpu.memory_space<hbm>>
      %dma_start3A_23 = tpu.memref_slice %arg2[%mul3A_4] : memref<131072xf32, #tpu.memory_space<hbm>> -> memref<4096xf32, #tpu.memory_space<hbm>>
      tpu.enqueue_dma source(%dma_start3A_23 : memref<4096xf32, #tpu.memory_space<hbm>>) target(%arg7 : memref<4096xf32, #tpu.memory_space<vmem>>) target_semaphore(%run_scoped3A : memref<!tpu.dma_semaphore, #tpu.memory_space<semaphore_mem>>)
      %dma_wait3A = tpu.memref_slice %arg2[%mul3A_4] : memref<131072xf32, #tpu.memory_space<hbm>> -> memref<4096xf32, #tpu.memory_space<hbm>>
      %dma_wait3A_24 = tpu.memref_slice %arg2[%mul3A_4] : memref<131072xf32, #tpu.memory_space<hbm>> -> memref<4096xf32, #tpu.memory_space<hbm>>
      tpu.wait_dma2 semaphore(%run_scoped3A : memref<!tpu.dma_semaphore, #tpu.memory_space<semaphore_mem>>) src(%dma_wait3A_24 : memref<4096xf32, #tpu.memory_space<hbm>>) dst(%arg7 : memref<4096xf32, #tpu.memory_space<vmem>>)
      tpu.yield
    }) : () -> ()
    %mul3A_5 = arith.constant 128 : i32
    %mul3A_6 = arith.muli %mul3A_2, %mul3A_5 : i32
    "tpu.region"() ({
      %run_scoped3A = tpu.sem_alloc : memref<!tpu.dma_semaphore, #tpu.memory_space<semaphore_mem>>
      %dma_start3A = tpu.memref_slice %arg3[%mul3A_6] : memref<131072xf32, #tpu.memory_space<hbm>> -> memref<4096xf32, #tpu.memory_space<hbm>>
      %dma_start3A_23 = tpu.memref_slice %arg3[%mul3A_6] : memref<131072xf32, #tpu.memory_space<hbm>> -> memref<4096xf32, #tpu.memory_space<hbm>>
      tpu.enqueue_dma source(%dma_start3A_23 : memref<4096xf32, #tpu.memory_space<hbm>>) target(%arg8 : memref<4096xf32, #tpu.memory_space<vmem>>) target_semaphore(%run_scoped3A : memref<!tpu.dma_semaphore, #tpu.memory_space<semaphore_mem>>)
      %dma_wait3A = tpu.memref_slice %arg3[%mul3A_6] : memref<131072xf32, #tpu.memory_space<hbm>> -> memref<4096xf32, #tpu.memory_space<hbm>>
      %dma_wait3A_24 = tpu.memref_slice %arg3[%mul3A_6] : memref<131072xf32, #tpu.memory_space<hbm>> -> memref<4096xf32, #tpu.memory_space<hbm>>
      tpu.wait_dma2 semaphore(%run_scoped3A : memref<!tpu.dma_semaphore, #tpu.memory_space<semaphore_mem>>) src(%dma_wait3A_24 : memref<4096xf32, #tpu.memory_space<hbm>>) dst(%arg8 : memref<4096xf32, #tpu.memory_space<vmem>>)
      tpu.yield
    }) : () -> ()
    %mul3A_7 = arith.constant 2 : i32
    %mul3A_8 = arith.muli %mul3A_2, %mul3A_7 : i32
    %mul3A_9 = arith.constant 128 : i32
    %mul3A_10 = arith.muli %mul3A_8, %mul3A_9 : i32
    "tpu.region"() ({
      %run_scoped3A = tpu.sem_alloc : memref<!tpu.dma_semaphore, #tpu.memory_space<semaphore_mem>>
      %dma_start3A = tpu.memref_slice %arg4[%mul3A_10] : memref<262144xf32, #tpu.memory_space<hbm>> -> memref<8192xf32, #tpu.memory_space<hbm>>
      %dma_start3A_23 = tpu.memref_slice %arg4[%mul3A_10] : memref<262144xf32, #tpu.memory_space<hbm>> -> memref<8192xf32, #tpu.memory_space<hbm>>
      tpu.enqueue_dma source(%dma_start3A_23 : memref<8192xf32, #tpu.memory_space<hbm>>) target(%arg9 : memref<8192xf32, #tpu.memory_space<vmem>>) target_semaphore(%run_scoped3A : memref<!tpu.dma_semaphore, #tpu.memory_space<semaphore_mem>>)
      %dma_wait3A = tpu.memref_slice %arg4[%mul3A_10] : memref<262144xf32, #tpu.memory_space<hbm>> -> memref<8192xf32, #tpu.memory_space<hbm>>
      %dma_wait3A_24 = tpu.memref_slice %arg4[%mul3A_10] : memref<262144xf32, #tpu.memory_space<hbm>> -> memref<8192xf32, #tpu.memory_space<hbm>>
      tpu.wait_dma2 semaphore(%run_scoped3A : memref<!tpu.dma_semaphore, #tpu.memory_space<semaphore_mem>>) src(%dma_wait3A_24 : memref<8192xf32, #tpu.memory_space<hbm>>) dst(%arg9 : memref<8192xf32, #tpu.memory_space<vmem>>)
      tpu.yield
    }) : () -> ()
    %mul3A_11 = arith.constant 2 : i32
    %mul3A_12 = arith.muli %mul3A_2, %mul3A_11 : i32
    %mul3A_13 = arith.constant 128 : i32
    %mul3A_14 = arith.muli %mul3A_12, %mul3A_13 : i32
    "tpu.region"() ({
      %run_scoped3A = tpu.sem_alloc : memref<!tpu.dma_semaphore, #tpu.memory_space<semaphore_mem>>
      %dma_start3A = tpu.memref_slice %arg5[%mul3A_14] : memref<262144xf32, #tpu.memory_space<hbm>> -> memref<8192xf32, #tpu.memory_space<hbm>>
      %dma_start3A_23 = tpu.memref_slice %arg5[%mul3A_14] : memref<262144xf32, #tpu.memory_space<hbm>> -> memref<8192xf32, #tpu.memory_space<hbm>>
      tpu.enqueue_dma source(%dma_start3A_23 : memref<8192xf32, #tpu.memory_space<hbm>>) target(%arg10 : memref<8192xf32, #tpu.memory_space<vmem>>) target_semaphore(%run_scoped3A : memref<!tpu.dma_semaphore, #tpu.memory_space<semaphore_mem>>)
      %dma_wait3A = tpu.memref_slice %arg5[%mul3A_14] : memref<262144xf32, #tpu.memory_space<hbm>> -> memref<8192xf32, #tpu.memory_space<hbm>>
      %dma_wait3A_24 = tpu.memref_slice %arg5[%mul3A_14] : memref<262144xf32, #tpu.memory_space<hbm>> -> memref<8192xf32, #tpu.memory_space<hbm>>
      tpu.wait_dma2 semaphore(%run_scoped3A : memref<!tpu.dma_semaphore, #tpu.memory_space<semaphore_mem>>) src(%dma_wait3A_24 : memref<8192xf32, #tpu.memory_space<hbm>>) dst(%arg10 : memref<8192xf32, #tpu.memory_space<vmem>>)
      tpu.yield
    }) : () -> ()
    %iota3A = tpu.iota {dimensions = array<i32: 0>} : vector<16xi32>
    %parallel_loop3A = arith.constant 0 : i32
    %parallel_loop3A_15 = arith.constant 32 : i32
    %parallel_loop3A_16 = arith.constant 1 : i32
    %parallel_loop3A_17 = arith.constant 0.000000e+00 : f32
    %parallel_loop3A_18 = scf.for %parallel_loop3A_23 = %parallel_loop3A to %parallel_loop3A_15 step %parallel_loop3A_16 iter_args(%parallel_loop3A_24 = %parallel_loop3A_17) -> (f32)  : i32 {
      %parallel_loop3A_25 = arith.constant 128 : i32
      %parallel_loop3A_26 = arith.muli %parallel_loop3A_23, %parallel_loop3A_25 : i32
      %parallel_loop3A_27 = arith.constant 0 : i32
      %parallel_loop3A_28 = arith.addi %parallel_loop3A_26, %parallel_loop3A_27 : i32
      %parallel_loop3A_29 = arith.index_cast %parallel_loop3A_28 : i32 to index
      %parallel_loop3A_30 = tpu.vector_load %arg7[%parallel_loop3A_29] {strides = array<i32>} : memref<4096xf32, #tpu.memory_space<vmem>>, vector<16xf32>,
      %parallel_loop3A_31 = arith.constant 128 : i32
      %parallel_loop3A_32 = arith.muli %parallel_loop3A_23, %parallel_loop3A_31 : i32
      %parallel_loop3A_33 = arith.constant 16 : i32
      %parallel_loop3A_34 = arith.addi %parallel_loop3A_32, %parallel_loop3A_33 : i32
      %parallel_loop3A_35 = arith.index_cast %parallel_loop3A_34 : i32 to index
      %parallel_loop3A_36 = tpu.vector_load %arg7[%parallel_loop3A_35] {strides = array<i32>} : memref<4096xf32, #tpu.memory_space<vmem>>, vector<16xf32>,
      %parallel_loop3A_37 = arith.constant 128 : i32
      %parallel_loop3A_38 = arith.muli %parallel_loop3A_23, %parallel_loop3A_37 : i32
      %parallel_loop3A_39 = arith.constant 32 : i32
      %parallel_loop3A_40 = arith.addi %parallel_loop3A_38, %parallel_loop3A_39 : i32
      %parallel_loop3A_41 = arith.index_cast %parallel_loop3A_40 : i32 to index
      %parallel_loop3A_42 = tpu.vector_load %arg7[%parallel_loop3A_41] {strides = array<i32>} : memref<4096xf32, #tpu.memory_space<vmem>>, vector<16xf32>,
      %parallel_loop3A_43 = arith.constant 128 : i32
      %parallel_loop3A_44 = arith.muli %parallel_loop3A_23, %parallel_loop3A_43 : i32
      %parallel_loop3A_45 = arith.constant 48 : i32
      %parallel_loop3A_46 = arith.addi %parallel_loop3A_44, %parallel_loop3A_45 : i32
      %parallel_loop3A_47 = arith.index_cast %parallel_loop3A_46 : i32 to index
      %parallel_loop3A_48 = tpu.vector_load %arg7[%parallel_loop3A_47] {strides = array<i32>} : memref<4096xf32, #tpu.memory_space<vmem>>, vector<16xf32>,
      %parallel_loop3A_49 = arith.constant 128 : i32
      %parallel_loop3A_50 = arith.muli %parallel_loop3A_23, %parallel_loop3A_49 : i32
      %parallel_loop3A_51 = arith.constant 64 : i32
      %parallel_loop3A_52 = arith.addi %parallel_loop3A_50, %parallel_loop3A_51 : i32
      %parallel_loop3A_53 = arith.index_cast %parallel_loop3A_52 : i32 to index
      %parallel_loop3A_54 = tpu.vector_load %arg7[%parallel_loop3A_53] {strides = array<i32>} : memref<4096xf32, #tpu.memory_space<vmem>>, vector<16xf32>,
      %parallel_loop3A_55 = arith.constant 128 : i32
      %parallel_loop3A_56 = arith.muli %parallel_loop3A_23, %parallel_loop3A_55 : i32
      %parallel_loop3A_57 = arith.constant 80 : i32
      %parallel_loop3A_58 = arith.addi %parallel_loop3A_56, %parallel_loop3A_57 : i32
      %parallel_loop3A_59 = arith.index_cast %parallel_loop3A_58 : i32 to index
      %parallel_loop3A_60 = tpu.vector_load %arg7[%parallel_loop3A_59] {strides = array<i32>} : memref<4096xf32, #tpu.memory_space<vmem>>, vector<16xf32>,
      %parallel_loop3A_61 = arith.constant 128 : i32
      %parallel_loop3A_62 = arith.muli %parallel_loop3A_23, %parallel_loop3A_61 : i32
      %parallel_loop3A_63 = arith.constant 96 : i32
      %parallel_loop3A_64 = arith.addi %parallel_loop3A_62, %parallel_loop3A_63 : i32
      %parallel_loop3A_65 = arith.index_cast %parallel_loop3A_64 : i32 to index
      %parallel_loop3A_66 = tpu.vector_load %arg7[%parallel_loop3A_65] {strides = array<i32>} : memref<4096xf32, #tpu.memory_space<vmem>>, vector<16xf32>,
      %parallel_loop3A_67 = arith.constant 128 : i32
      %parallel_loop3A_68 = arith.muli %parallel_loop3A_23, %parallel_loop3A_67 : i32
      %parallel_loop3A_69 = arith.constant 112 : i32
      %parallel_loop3A_70 = arith.addi %parallel_loop3A_68, %parallel_loop3A_69 : i32
      %parallel_loop3A_71 = arith.index_cast %parallel_loop3A_70 : i32 to index
      %parallel_loop3A_72 = tpu.vector_load %arg7[%parallel_loop3A_71] {strides = array<i32>} : memref<4096xf32, #tpu.memory_space<vmem>>, vector<16xf32>,
      %parallel_loop3A_73 = arith.constant 128 : i32
      %parallel_loop3A_74 = arith.muli %parallel_loop3A_23, %parallel_loop3A_73 : i32
      %parallel_loop3A_75 = arith.constant 0 : i32
      %parallel_loop3A_76 = arith.addi %parallel_loop3A_74, %parallel_loop3A_75 : i32
      %parallel_loop3A_77 = arith.index_cast %parallel_loop3A_76 : i32 to index
      %parallel_loop3A_78 = tpu.vector_load %arg8[%parallel_loop3A_77] {strides = array<i32>} : memref<4096xf32, #tpu.memory_space<vmem>>, vector<16xf32>,
      %parallel_loop3A_79 = arith.constant 128 : i32
      %parallel_loop3A_80 = arith.muli %parallel_loop3A_23, %parallel_loop3A_79 : i32
      %parallel_loop3A_81 = arith.constant 16 : i32
      %parallel_loop3A_82 = arith.addi %parallel_loop3A_80, %parallel_loop3A_81 : i32
      %parallel_loop3A_83 = arith.index_cast %parallel_loop3A_82 : i32 to index
      %parallel_loop3A_84 = tpu.vector_load %arg8[%parallel_loop3A_83] {strides = array<i32>} : memref<4096xf32, #tpu.memory_space<vmem>>, vector<16xf32>,
      %parallel_loop3A_85 = arith.constant 128 : i32
      %parallel_loop3A_86 = arith.muli %parallel_loop3A_23, %parallel_loop3A_85 : i32
      %parallel_loop3A_87 = arith.constant 32 : i32
      %parallel_loop3A_88 = arith.addi %parallel_loop3A_86, %parallel_loop3A_87 : i32
      %parallel_loop3A_89 = arith.index_cast %parallel_loop3A_88 : i32 to index
      %parallel_loop3A_90 = tpu.vector_load %arg8[%parallel_loop3A_89] {strides = array<i32>} : memref<4096xf32, #tpu.memory_space<vmem>>, vector<16xf32>,
      %parallel_loop3A_91 = arith.constant 128 : i32
      %parallel_loop3A_92 = arith.muli %parallel_loop3A_23, %parallel_loop3A_91 : i32
      %parallel_loop3A_93 = arith.constant 48 : i32
      %parallel_loop3A_94 = arith.addi %parallel_loop3A_92, %parallel_loop3A_93 : i32
      %parallel_loop3A_95 = arith.index_cast %parallel_loop3A_94 : i32 to index
      %parallel_loop3A_96 = tpu.vector_load %arg8[%parallel_loop3A_95] {strides = array<i32>} : memref<4096xf32, #tpu.memory_space<vmem>>, vector<16xf32>,
      %parallel_loop3A_97 = arith.constant 128 : i32
      %parallel_loop3A_98 = arith.muli %parallel_loop3A_23, %parallel_loop3A_97 : i32
      %parallel_loop3A_99 = arith.constant 64 : i32
      %parallel_loop3A_100 = arith.addi %parallel_loop3A_98, %parallel_loop3A_99 : i32
      %parallel_loop3A_101 = arith.index_cast %parallel_loop3A_100 : i32 to index
      %parallel_loop3A_102 = tpu.vector_load %arg8[%parallel_loop3A_101] {strides = array<i32>} : memref<4096xf32, #tpu.memory_space<vmem>>, vector<16xf32>,
      %parallel_loop3A_103 = arith.constant 128 : i32
      %parallel_loop3A_104 = arith.muli %parallel_loop3A_23, %parallel_loop3A_103 : i32
      %parallel_loop3A_105 = arith.constant 80 : i32
      %parallel_loop3A_106 = arith.addi %parallel_loop3A_104, %parallel_loop3A_105 : i32
      %parallel_loop3A_107 = arith.index_cast %parallel_loop3A_106 : i32 to index
      %parallel_loop3A_108 = tpu.vector_load %arg8[%parallel_loop3A_107] {strides = array<i32>} : memref<4096xf32, #tpu.memory_space<vmem>>, vector<16xf32>,
      %parallel_loop3A_109 = arith.constant 128 : i32
      %parallel_loop3A_110 = arith.muli %parallel_loop3A_23, %parallel_loop3A_109 : i32
      %parallel_loop3A_111 = arith.constant 96 : i32
      %parallel_loop3A_112 = arith.addi %parallel_loop3A_110, %parallel_loop3A_111 : i32
      %parallel_loop3A_113 = arith.index_cast %parallel_loop3A_112 : i32 to index
      %parallel_loop3A_114 = tpu.vector_load %arg8[%parallel_loop3A_113] {strides = array<i32>} : memref<4096xf32, #tpu.memory_space<vmem>>, vector<16xf32>,
      %parallel_loop3A_115 = arith.constant 128 : i32
      %parallel_loop3A_116 = arith.muli %parallel_loop3A_23, %parallel_loop3A_115 : i32
      %parallel_loop3A_117 = arith.constant 112 : i32
      %parallel_loop3A_118 = arith.addi %parallel_loop3A_116, %parallel_loop3A_117 : i32
      %parallel_loop3A_119 = arith.index_cast %parallel_loop3A_118 : i32 to index
      %parallel_loop3A_120 = tpu.vector_load %arg8[%parallel_loop3A_119] {strides = array<i32>} : memref<4096xf32, #tpu.memory_space<vmem>>, vector<16xf32>,
      %parallel_loop3A_121 = arith.constant 2 : i32
      %parallel_loop3A_122 = arith.muli %parallel_loop3A_23, %parallel_loop3A_121 : i32
      %parallel_loop3A_123 = arith.constant 128 : i32
      %parallel_loop3A_124 = arith.muli %parallel_loop3A_122, %parallel_loop3A_123 : i32
      %parallel_loop3A_125 = arith.constant 0x7F800000 : f32
      %parallel_loop3A_126 = arith.constant 0 : i32
      %parallel_loop3A_127 = arith.constant 128 : i32
      %parallel_loop3A_128 = arith.addi %parallel_loop3A_126, %parallel_loop3A_127 : i32
      %parallel_loop3A_129 = arith.constant 1 : i32
      %parallel_loop3A_130 = scf.for %scan3A = %parallel_loop3A_126 to %parallel_loop3A_128 step %parallel_loop3A_129 iter_args(%scan3A_133 = %parallel_loop3A_125) -> (f32)  : i32 {
        %parallel_loop3A_134 = arith.addi %parallel_loop3A_124, %scan3A : i32
        %parallel_loop3A_135 = vector.broadcast %parallel_loop3A_134 : i32 to vector<16xi32>
        %parallel_loop3A_136 = arith.addi %parallel_loop3A_135, %iota3A : vector<16xi32>
        %parallel_loop3A_137 = arith.constant 0.000000e+00 : f32
        %parallel_loop3A_138 = vector.broadcast %parallel_loop3A_137 : f32 to vector<16xf32>
        %parallel_loop3A_139 = arith.constant 0 : i32
        %parallel_loop3A_140 = vector.broadcast %parallel_loop3A_139 : i32 to vector<16xi32>
        %parallel_loop3A_141 = arith.addi %parallel_loop3A_136, %parallel_loop3A_140 : vector<16xi32>
        %parallel_loop3A_142 = tpu.vector_load_idx %arg9[%parallel_loop3A_141] : memref<8192xf32, #tpu.memory_space<vmem>>[vector<16xi32>], vector<16xf32>,
        %parallel_loop3A_143 = tpu.vector_load_idx %arg10[%parallel_loop3A_141] : memref<8192xf32, #tpu.memory_space<vmem>>[vector<16xi32>], vector<16xf32>,
        %parallel_loop3A_144 = arith.subf %parallel_loop3A_30, %parallel_loop3A_142 : vector<16xf32>
        %parallel_loop3A_145 = math.absf %parallel_loop3A_144 : vector<16xf32>
        %parallel_loop3A_146 = arith.constant 1.000000e+00 : f32
        %parallel_loop3A_147 = vector.broadcast %parallel_loop3A_146 : f32 to vector<16xf32>
        %parallel_loop3A_148 = arith.minimumf %parallel_loop3A_145, %parallel_loop3A_147 : vector<16xf32>
        %parallel_loop3A_149 = arith.constant 5.000000e-01 : f32
        %parallel_loop3A_150 = vector.broadcast %parallel_loop3A_149 : f32 to vector<16xf32>
        %parallel_loop3A_151 = arith.mulf %parallel_loop3A_150, %parallel_loop3A_148 : vector<16xf32>
        %parallel_loop3A_152 = arith.subf %parallel_loop3A_145, %parallel_loop3A_151 : vector<16xf32>
        %parallel_loop3A_153 = arith.mulf %parallel_loop3A_148, %parallel_loop3A_152 : vector<16xf32>
        %parallel_loop3A_154 = arith.addf %parallel_loop3A_138, %parallel_loop3A_153 : vector<16xf32>
        %parallel_loop3A_155 = arith.subf %parallel_loop3A_78, %parallel_loop3A_143 : vector<16xf32>
        %parallel_loop3A_156 = math.absf %parallel_loop3A_155 : vector<16xf32>
        %parallel_loop3A_157 = arith.constant 1.000000e+00 : f32
        %parallel_loop3A_158 = vector.broadcast %parallel_loop3A_157 : f32 to vector<16xf32>
        %parallel_loop3A_159 = arith.minimumf %parallel_loop3A_156, %parallel_loop3A_158 : vector<16xf32>
        %parallel_loop3A_160 = arith.constant 5.000000e-01 : f32
        %parallel_loop3A_161 = vector.broadcast %parallel_loop3A_160 : f32 to vector<16xf32>
        %parallel_loop3A_162 = arith.mulf %parallel_loop3A_161, %parallel_loop3A_159 : vector<16xf32>
        %parallel_loop3A_163 = arith.subf %parallel_loop3A_156, %parallel_loop3A_162 : vector<16xf32>
        %parallel_loop3A_164 = arith.mulf %parallel_loop3A_159, %parallel_loop3A_163 : vector<16xf32>
        %parallel_loop3A_165 = arith.addf %parallel_loop3A_154, %parallel_loop3A_164 : vector<16xf32>
        %parallel_loop3A_166 = arith.constant 16 : i32
        %parallel_loop3A_167 = vector.broadcast %parallel_loop3A_166 : i32 to vector<16xi32>
        %parallel_loop3A_168 = arith.addi %parallel_loop3A_136, %parallel_loop3A_167 : vector<16xi32>
        %parallel_loop3A_169 = tpu.vector_load_idx %arg9[%parallel_loop3A_168] : memref<8192xf32, #tpu.memory_space<vmem>>[vector<16xi32>], vector<16xf32>,
        %parallel_loop3A_170 = tpu.vector_load_idx %arg10[%parallel_loop3A_168] : memref<8192xf32, #tpu.memory_space<vmem>>[vector<16xi32>], vector<16xf32>,
        %parallel_loop3A_171 = arith.subf %parallel_loop3A_36, %parallel_loop3A_169 : vector<16xf32>
        %parallel_loop3A_172 = math.absf %parallel_loop3A_171 : vector<16xf32>
        %parallel_loop3A_173 = arith.constant 1.000000e+00 : f32
        %parallel_loop3A_174 = vector.broadcast %parallel_loop3A_173 : f32 to vector<16xf32>
        %parallel_loop3A_175 = arith.minimumf %parallel_loop3A_172, %parallel_loop3A_174 : vector<16xf32>
        %parallel_loop3A_176 = arith.constant 5.000000e-01 : f32
        %parallel_loop3A_177 = vector.broadcast %parallel_loop3A_176 : f32 to vector<16xf32>
        %parallel_loop3A_178 = arith.mulf %parallel_loop3A_177, %parallel_loop3A_175 : vector<16xf32>
        %parallel_loop3A_179 = arith.subf %parallel_loop3A_172, %parallel_loop3A_178 : vector<16xf32>
        %parallel_loop3A_180 = arith.mulf %parallel_loop3A_175, %parallel_loop3A_179 : vector<16xf32>
        %parallel_loop3A_181 = arith.addf %parallel_loop3A_165, %parallel_loop3A_180 : vector<16xf32>
        %parallel_loop3A_182 = arith.subf %parallel_loop3A_84, %parallel_loop3A_170 : vector<16xf32>
        %parallel_loop3A_183 = math.absf %parallel_loop3A_182 : vector<16xf32>
        %parallel_loop3A_184 = arith.constant 1.000000e+00 : f32
        %parallel_loop3A_185 = vector.broadcast %parallel_loop3A_184 : f32 to vector<16xf32>
        %parallel_loop3A_186 = arith.minimumf %parallel_loop3A_183, %parallel_loop3A_185 : vector<16xf32>
        %parallel_loop3A_187 = arith.constant 5.000000e-01 : f32
        %parallel_loop3A_188 = vector.broadcast %parallel_loop3A_187 : f32 to vector<16xf32>
        %parallel_loop3A_189 = arith.mulf %parallel_loop3A_188, %parallel_loop3A_186 : vector<16xf32>
        %parallel_loop3A_190 = arith.subf %parallel_loop3A_183, %parallel_loop3A_189 : vector<16xf32>
        %parallel_loop3A_191 = arith.mulf %parallel_loop3A_186, %parallel_loop3A_190 : vector<16xf32>
        %parallel_loop3A_192 = arith.addf %parallel_loop3A_181, %parallel_loop3A_191 : vector<16xf32>
        %parallel_loop3A_193 = arith.constant 32 : i32
        %parallel_loop3A_194 = vector.broadcast %parallel_loop3A_193 : i32 to vector<16xi32>
        %parallel_loop3A_195 = arith.addi %parallel_loop3A_136, %parallel_loop3A_194 : vector<16xi32>
        %parallel_loop3A_196 = tpu.vector_load_idx %arg9[%parallel_loop3A_195] : memref<8192xf32, #tpu.memory_space<vmem>>[vector<16xi32>], vector<16xf32>,
        %parallel_loop3A_197 = tpu.vector_load_idx %arg10[%parallel_loop3A_195] : memref<8192xf32, #tpu.memory_space<vmem>>[vector<16xi32>], vector<16xf32>,
        %parallel_loop3A_198 = arith.subf %parallel_loop3A_42, %parallel_loop3A_196 : vector<16xf32>
        %parallel_loop3A_199 = math.absf %parallel_loop3A_198 : vector<16xf32>
        %parallel_loop3A_200 = arith.constant 1.000000e+00 : f32
        %parallel_loop3A_201 = vector.broadcast %parallel_loop3A_200 : f32 to vector<16xf32>
        %parallel_loop3A_202 = arith.minimumf %parallel_loop3A_199, %parallel_loop3A_201 : vector<16xf32>
        %parallel_loop3A_203 = arith.constant 5.000000e-01 : f32
        %parallel_loop3A_204 = vector.broadcast %parallel_loop3A_203 : f32 to vector<16xf32>
        %parallel_loop3A_205 = arith.mulf %parallel_loop3A_204, %parallel_loop3A_202 : vector<16xf32>
        %parallel_loop3A_206 = arith.subf %parallel_loop3A_199, %parallel_loop3A_205 : vector<16xf32>
        %parallel_loop3A_207 = arith.mulf %parallel_loop3A_202, %parallel_loop3A_206 : vector<16xf32>
        %parallel_loop3A_208 = arith.addf %parallel_loop3A_192, %parallel_loop3A_207 : vector<16xf32>
        %parallel_loop3A_209 = arith.subf %parallel_loop3A_90, %parallel_loop3A_197 : vector<16xf32>
        %parallel_loop3A_210 = math.absf %parallel_loop3A_209 : vector<16xf32>
        %parallel_loop3A_211 = arith.constant 1.000000e+00 : f32
        %parallel_loop3A_212 = vector.broadcast %parallel_loop3A_211 : f32 to vector<16xf32>
        %parallel_loop3A_213 = arith.minimumf %parallel_loop3A_210, %parallel_loop3A_212 : vector<16xf32>
        %parallel_loop3A_214 = arith.constant 5.000000e-01 : f32
        %parallel_loop3A_215 = vector.broadcast %parallel_loop3A_214 : f32 to vector<16xf32>
        %parallel_loop3A_216 = arith.mulf %parallel_loop3A_215, %parallel_loop3A_213 : vector<16xf32>
        %parallel_loop3A_217 = arith.subf %parallel_loop3A_210, %parallel_loop3A_216 : vector<16xf32>
        %parallel_loop3A_218 = arith.mulf %parallel_loop3A_213, %parallel_loop3A_217 : vector<16xf32>
        %parallel_loop3A_219 = arith.addf %parallel_loop3A_208, %parallel_loop3A_218 : vector<16xf32>
        %parallel_loop3A_220 = arith.constant 48 : i32
        %parallel_loop3A_221 = vector.broadcast %parallel_loop3A_220 : i32 to vector<16xi32>
        %parallel_loop3A_222 = arith.addi %parallel_loop3A_136, %parallel_loop3A_221 : vector<16xi32>
        %parallel_loop3A_223 = tpu.vector_load_idx %arg9[%parallel_loop3A_222] : memref<8192xf32, #tpu.memory_space<vmem>>[vector<16xi32>], vector<16xf32>,
        %parallel_loop3A_224 = tpu.vector_load_idx %arg10[%parallel_loop3A_222] : memref<8192xf32, #tpu.memory_space<vmem>>[vector<16xi32>], vector<16xf32>,
        %parallel_loop3A_225 = arith.subf %parallel_loop3A_48, %parallel_loop3A_223 : vector<16xf32>
        %parallel_loop3A_226 = math.absf %parallel_loop3A_225 : vector<16xf32>
        %parallel_loop3A_227 = arith.constant 1.000000e+00 : f32
        %parallel_loop3A_228 = vector.broadcast %parallel_loop3A_227 : f32 to vector<16xf32>
        %parallel_loop3A_229 = arith.minimumf %parallel_loop3A_226, %parallel_loop3A_228 : vector<16xf32>
        %parallel_loop3A_230 = arith.constant 5.000000e-01 : f32
        %parallel_loop3A_231 = vector.broadcast %parallel_loop3A_230 : f32 to vector<16xf32>
        %parallel_loop3A_232 = arith.mulf %parallel_loop3A_231, %parallel_loop3A_229 : vector<16xf32>
        %parallel_loop3A_233 = arith.subf %parallel_loop3A_226, %parallel_loop3A_232 : vector<16xf32>
        %parallel_loop3A_234 = arith.mulf %parallel_loop3A_229, %parallel_loop3A_233 : vector<16xf32>
        %parallel_loop3A_235 = arith.addf %parallel_loop3A_219, %parallel_loop3A_234 : vector<16xf32>
        %parallel_loop3A_236 = arith.subf %parallel_loop3A_96, %parallel_loop3A_224 : vector<16xf32>
        %parallel_loop3A_237 = math.absf %parallel_loop3A_236 : vector<16xf32>
        %parallel_loop3A_238 = arith.constant 1.000000e+00 : f32
        %parallel_loop3A_239 = vector.broadcast %parallel_loop3A_238 : f32 to vector<16xf32>
        %parallel_loop3A_240 = arith.minimumf %parallel_loop3A_237, %parallel_loop3A_239 : vector<16xf32>
        %parallel_loop3A_241 = arith.constant 5.000000e-01 : f32
        %parallel_loop3A_242 = vector.broadcast %parallel_loop3A_241 : f32 to vector<16xf32>
        %parallel_loop3A_243 = arith.mulf %parallel_loop3A_242, %parallel_loop3A_240 : vector<16xf32>
        %parallel_loop3A_244 = arith.subf %parallel_loop3A_237, %parallel_loop3A_243 : vector<16xf32>
        %parallel_loop3A_245 = arith.mulf %parallel_loop3A_240, %parallel_loop3A_244 : vector<16xf32>
        %parallel_loop3A_246 = arith.addf %parallel_loop3A_235, %parallel_loop3A_245 : vector<16xf32>
        %parallel_loop3A_247 = arith.constant 64 : i32
        %parallel_loop3A_248 = vector.broadcast %parallel_loop3A_247 : i32 to vector<16xi32>
        %parallel_loop3A_249 = arith.addi %parallel_loop3A_136, %parallel_loop3A_248 : vector<16xi32>
        %parallel_loop3A_250 = tpu.vector_load_idx %arg9[%parallel_loop3A_249] : memref<8192xf32, #tpu.memory_space<vmem>>[vector<16xi32>], vector<16xf32>,
        %parallel_loop3A_251 = tpu.vector_load_idx %arg10[%parallel_loop3A_249] : memref<8192xf32, #tpu.memory_space<vmem>>[vector<16xi32>], vector<16xf32>,
        %parallel_loop3A_252 = arith.subf %parallel_loop3A_54, %parallel_loop3A_250 : vector<16xf32>
        %parallel_loop3A_253 = math.absf %parallel_loop3A_252 : vector<16xf32>
        %parallel_loop3A_254 = arith.constant 1.000000e+00 : f32
        %parallel_loop3A_255 = vector.broadcast %parallel_loop3A_254 : f32 to vector<16xf32>
        %parallel_loop3A_256 = arith.minimumf %parallel_loop3A_253, %parallel_loop3A_255 : vector<16xf32>
        %parallel_loop3A_257 = arith.constant 5.000000e-01 : f32
        %parallel_loop3A_258 = vector.broadcast %parallel_loop3A_257 : f32 to vector<16xf32>
        %parallel_loop3A_259 = arith.mulf %parallel_loop3A_258, %parallel_loop3A_256 : vector<16xf32>
        %parallel_loop3A_260 = arith.subf %parallel_loop3A_253, %parallel_loop3A_259 : vector<16xf32>
        %parallel_loop3A_261 = arith.mulf %parallel_loop3A_256, %parallel_loop3A_260 : vector<16xf32>
        %parallel_loop3A_262 = arith.addf %parallel_loop3A_246, %parallel_loop3A_261 : vector<16xf32>
        %parallel_loop3A_263 = arith.subf %parallel_loop3A_102, %parallel_loop3A_251 : vector<16xf32>
        %parallel_loop3A_264 = math.absf %parallel_loop3A_263 : vector<16xf32>
        %parallel_loop3A_265 = arith.constant 1.000000e+00 : f32
        %parallel_loop3A_266 = vector.broadcast %parallel_loop3A_265 : f32 to vector<16xf32>
        %parallel_loop3A_267 = arith.minimumf %parallel_loop3A_264, %parallel_loop3A_266 : vector<16xf32>
        %parallel_loop3A_268 = arith.constant 5.000000e-01 : f32
        %parallel_loop3A_269 = vector.broadcast %parallel_loop3A_268 : f32 to vector<16xf32>
        %parallel_loop3A_270 = arith.mulf %parallel_loop3A_269, %parallel_loop3A_267 : vector<16xf32>
        %parallel_loop3A_271 = arith.subf %parallel_loop3A_264, %parallel_loop3A_270 : vector<16xf32>
        %parallel_loop3A_272 = arith.mulf %parallel_loop3A_267, %parallel_loop3A_271 : vector<16xf32>
        %parallel_loop3A_273 = arith.addf %parallel_loop3A_262, %parallel_loop3A_272 : vector<16xf32>
        %parallel_loop3A_274 = arith.constant 80 : i32
        %parallel_loop3A_275 = vector.broadcast %parallel_loop3A_274 : i32 to vector<16xi32>
        %parallel_loop3A_276 = arith.addi %parallel_loop3A_136, %parallel_loop3A_275 : vector<16xi32>
        %parallel_loop3A_277 = tpu.vector_load_idx %arg9[%parallel_loop3A_276] : memref<8192xf32, #tpu.memory_space<vmem>>[vector<16xi32>], vector<16xf32>,
        %parallel_loop3A_278 = tpu.vector_load_idx %arg10[%parallel_loop3A_276] : memref<8192xf32, #tpu.memory_space<vmem>>[vector<16xi32>], vector<16xf32>,
        %parallel_loop3A_279 = arith.subf %parallel_loop3A_60, %parallel_loop3A_277 : vector<16xf32>
        %parallel_loop3A_280 = math.absf %parallel_loop3A_279 : vector<16xf32>
        %parallel_loop3A_281 = arith.constant 1.000000e+00 : f32
        %parallel_loop3A_282 = vector.broadcast %parallel_loop3A_281 : f32 to vector<16xf32>
        %parallel_loop3A_283 = arith.minimumf %parallel_loop3A_280, %parallel_loop3A_282 : vector<16xf32>
        %parallel_loop3A_284 = arith.constant 5.000000e-01 : f32
        %parallel_loop3A_285 = vector.broadcast %parallel_loop3A_284 : f32 to vector<16xf32>
        %parallel_loop3A_286 = arith.mulf %parallel_loop3A_285, %parallel_loop3A_283 : vector<16xf32>
        %parallel_loop3A_287 = arith.subf %parallel_loop3A_280, %parallel_loop3A_286 : vector<16xf32>
        %parallel_loop3A_288 = arith.mulf %parallel_loop3A_283, %parallel_loop3A_287 : vector<16xf32>
        %parallel_loop3A_289 = arith.addf %parallel_loop3A_273, %parallel_loop3A_288 : vector<16xf32>
        %parallel_loop3A_290 = arith.subf %parallel_loop3A_108, %parallel_loop3A_278 : vector<16xf32>
        %parallel_loop3A_291 = math.absf %parallel_loop3A_290 : vector<16xf32>
        %parallel_loop3A_292 = arith.constant 1.000000e+00 : f32
        %parallel_loop3A_293 = vector.broadcast %parallel_loop3A_292 : f32 to vector<16xf32>
        %parallel_loop3A_294 = arith.minimumf %parallel_loop3A_291, %parallel_loop3A_293 : vector<16xf32>
        %parallel_loop3A_295 = arith.constant 5.000000e-01 : f32
        %parallel_loop3A_296 = vector.broadcast %parallel_loop3A_295 : f32 to vector<16xf32>
        %parallel_loop3A_297 = arith.mulf %parallel_loop3A_296, %parallel_loop3A_294 : vector<16xf32>
        %parallel_loop3A_298 = arith.subf %parallel_loop3A_291, %parallel_loop3A_297 : vector<16xf32>
        %parallel_loop3A_299 = arith.mulf %parallel_loop3A_294, %parallel_loop3A_298 : vector<16xf32>
        %parallel_loop3A_300 = arith.addf %parallel_loop3A_289, %parallel_loop3A_299 : vector<16xf32>
        %parallel_loop3A_301 = arith.constant 96 : i32
        %parallel_loop3A_302 = vector.broadcast %parallel_loop3A_301 : i32 to vector<16xi32>
        %parallel_loop3A_303 = arith.addi %parallel_loop3A_136, %parallel_loop3A_302 : vector<16xi32>
        %parallel_loop3A_304 = tpu.vector_load_idx %arg9[%parallel_loop3A_303] : memref<8192xf32, #tpu.memory_space<vmem>>[vector<16xi32>], vector<16xf32>,
        %parallel_loop3A_305 = tpu.vector_load_idx %arg10[%parallel_loop3A_303] : memref<8192xf32, #tpu.memory_space<vmem>>[vector<16xi32>], vector<16xf32>,
        %parallel_loop3A_306 = arith.subf %parallel_loop3A_66, %parallel_loop3A_304 : vector<16xf32>
        %parallel_loop3A_307 = math.absf %parallel_loop3A_306 : vector<16xf32>
        %parallel_loop3A_308 = arith.constant 1.000000e+00 : f32
        %parallel_loop3A_309 = vector.broadcast %parallel_loop3A_308 : f32 to vector<16xf32>
        %parallel_loop3A_310 = arith.minimumf %parallel_loop3A_307, %parallel_loop3A_309 : vector<16xf32>
        %parallel_loop3A_311 = arith.constant 5.000000e-01 : f32
        %parallel_loop3A_312 = vector.broadcast %parallel_loop3A_311 : f32 to vector<16xf32>
        %parallel_loop3A_313 = arith.mulf %parallel_loop3A_312, %parallel_loop3A_310 : vector<16xf32>
        %parallel_loop3A_314 = arith.subf %parallel_loop3A_307, %parallel_loop3A_313 : vector<16xf32>
        %parallel_loop3A_315 = arith.mulf %parallel_loop3A_310, %parallel_loop3A_314 : vector<16xf32>
        %parallel_loop3A_316 = arith.addf %parallel_loop3A_300, %parallel_loop3A_315 : vector<16xf32>
        %parallel_loop3A_317 = arith.subf %parallel_loop3A_114, %parallel_loop3A_305 : vector<16xf32>
        %parallel_loop3A_318 = math.absf %parallel_loop3A_317 : vector<16xf32>
        %parallel_loop3A_319 = arith.constant 1.000000e+00 : f32
        %parallel_loop3A_320 = vector.broadcast %parallel_loop3A_319 : f32 to vector<16xf32>
        %parallel_loop3A_321 = arith.minimumf %parallel_loop3A_318, %parallel_loop3A_320 : vector<16xf32>
        %parallel_loop3A_322 = arith.constant 5.000000e-01 : f32
        %parallel_loop3A_323 = vector.broadcast %parallel_loop3A_322 : f32 to vector<16xf32>
        %parallel_loop3A_324 = arith.mulf %parallel_loop3A_323, %parallel_loop3A_321 : vector<16xf32>
        %parallel_loop3A_325 = arith.subf %parallel_loop3A_318, %parallel_loop3A_324 : vector<16xf32>
        %parallel_loop3A_326 = arith.mulf %parallel_loop3A_321, %parallel_loop3A_325 : vector<16xf32>
        %parallel_loop3A_327 = arith.addf %parallel_loop3A_316, %parallel_loop3A_326 : vector<16xf32>
        %parallel_loop3A_328 = arith.constant 112 : i32
        %parallel_loop3A_329 = vector.broadcast %parallel_loop3A_328 : i32 to vector<16xi32>
        %parallel_loop3A_330 = arith.addi %parallel_loop3A_136, %parallel_loop3A_329 : vector<16xi32>
        %parallel_loop3A_331 = tpu.vector_load_idx %arg9[%parallel_loop3A_330] : memref<8192xf32, #tpu.memory_space<vmem>>[vector<16xi32>], vector<16xf32>,
        %parallel_loop3A_332 = tpu.vector_load_idx %arg10[%parallel_loop3A_330] : memref<8192xf32, #tpu.memory_space<vmem>>[vector<16xi32>], vector<16xf32>,
        %parallel_loop3A_333 = arith.subf %parallel_loop3A_72, %parallel_loop3A_331 : vector<16xf32>
        %parallel_loop3A_334 = math.absf %parallel_loop3A_333 : vector<16xf32>
        %parallel_loop3A_335 = arith.constant 1.000000e+00 : f32
        %parallel_loop3A_336 = vector.broadcast %parallel_loop3A_335 : f32 to vector<16xf32>
        %parallel_loop3A_337 = arith.minimumf %parallel_loop3A_334, %parallel_loop3A_336 : vector<16xf32>
        %parallel_loop3A_338 = arith.constant 5.000000e-01 : f32
        %parallel_loop3A_339 = vector.broadcast %parallel_loop3A_338 : f32 to vector<16xf32>
        %parallel_loop3A_340 = arith.mulf %parallel_loop3A_339, %parallel_loop3A_337 : vector<16xf32>
        %parallel_loop3A_341 = arith.subf %parallel_loop3A_334, %parallel_loop3A_340 : vector<16xf32>
        %parallel_loop3A_342 = arith.mulf %parallel_loop3A_337, %parallel_loop3A_341 : vector<16xf32>
        %parallel_loop3A_343 = arith.addf %parallel_loop3A_327, %parallel_loop3A_342 : vector<16xf32>
        %parallel_loop3A_344 = arith.subf %parallel_loop3A_120, %parallel_loop3A_332 : vector<16xf32>
        %parallel_loop3A_345 = math.absf %parallel_loop3A_344 : vector<16xf32>
        %parallel_loop3A_346 = arith.constant 1.000000e+00 : f32
        %parallel_loop3A_347 = vector.broadcast %parallel_loop3A_346 : f32 to vector<16xf32>
        %parallel_loop3A_348 = arith.minimumf %parallel_loop3A_345, %parallel_loop3A_347 : vector<16xf32>
        %parallel_loop3A_349 = arith.constant 5.000000e-01 : f32
        %parallel_loop3A_350 = vector.broadcast %parallel_loop3A_349 : f32 to vector<16xf32>
        %parallel_loop3A_351 = arith.mulf %parallel_loop3A_350, %parallel_loop3A_348 : vector<16xf32>
        %parallel_loop3A_352 = arith.subf %parallel_loop3A_345, %parallel_loop3A_351 : vector<16xf32>
        %parallel_loop3A_353 = arith.mulf %parallel_loop3A_348, %parallel_loop3A_352 : vector<16xf32>
        %parallel_loop3A_354 = arith.addf %parallel_loop3A_343, %parallel_loop3A_353 : vector<16xf32>
        %parallel_loop3A_355 = arith.constant true
        %parallel_loop3A_356 = vector.broadcast %parallel_loop3A_355 : i1 to vector<16xi1>
        %parallel_loop3A_357 = tpu.scan <sum>, %parallel_loop3A_354 masked %parallel_loop3A_356 : vector<16xf32>, vector<16xi1> -> vector<16xf32>
        %parallel_loop3A_358 = vector.extract %parallel_loop3A_357[15] : f32 from vector<16xf32>
        %parallel_loop3A_359 = arith.minimumf %scan3A_133, %parallel_loop3A_358 : f32
        scf.yield %parallel_loop3A_359 : f32
      }
      %parallel_loop3A_131 = arith.constant 128 : i32
      %parallel_loop3A_132 = arith.addf %parallel_loop3A_24, %parallel_loop3A_130 : f32
      scf.yield %parallel_loop3A_132 : f32
    } {sc.loop_unroll_factor = 1 : i64, sc.parallel_access}
    %broadcast_in_dim3A = arith.constant 0.000000e+00 : f32
    %broadcast_in_dim3A_19 = vector.broadcast %broadcast_in_dim3A : f32 to vector<16xf32>
    %add3A_20 = vector.broadcast %parallel_loop3A_18 : f32 to vector<16xf32>
    %add3A_21 = arith.addf %broadcast_in_dim3A_19, %add3A_20 : vector<16xf32>
    %swap3A = arith.constant 0 : index
    %swap3A_22 = tpu.vector_load %arg11[%swap3A] {strides = array<i32>} : memref<16xf32, #tpu.memory_space<vmem>>, vector<16xf32>,
    tpu.vector_store %arg11[%swap3A], %add3A_21 {strides = array<i32>} : memref<16xf32, #tpu.memory_space<vmem>>, vector<16xf32>,
    "tpu.region"() ({
      %run_scoped3A = tpu.sem_alloc : memref<!tpu.dma_semaphore, #tpu.memory_space<semaphore_mem>>
      %dma_start3A = arith.constant 0 : i32
      %dma_start3A_23 = tpu.memref_slice %arg6[%add3A, %dma_start3A] : memref<32x16xf32, #tpu.memory_space<hbm>> -> memref<1x16xf32, #tpu.memory_space<hbm>>
      %dma_start3A_24 = tpu.memref_squeeze %dma_start3A_23 : memref<1x16xf32, #tpu.memory_space<hbm>> -> memref<16xf32, #tpu.memory_space<hbm>>
      %dma_start3A_25 = arith.constant 0 : i32
      %dma_start3A_26 = tpu.memref_slice %arg6[%add3A, %dma_start3A_25] : memref<32x16xf32, #tpu.memory_space<hbm>> -> memref<1x16xf32, #tpu.memory_space<hbm>>
      %dma_start3A_27 = tpu.memref_squeeze %dma_start3A_26 : memref<1x16xf32, #tpu.memory_space<hbm>> -> memref<16xf32, #tpu.memory_space<hbm>>
      tpu.enqueue_dma source(%arg11 : memref<16xf32, #tpu.memory_space<vmem>>) target(%dma_start3A_27 : memref<16xf32, #tpu.memory_space<hbm>>) target_semaphore(%run_scoped3A : memref<!tpu.dma_semaphore, #tpu.memory_space<semaphore_mem>>)
      %dma_wait3A = arith.constant 0 : i32
      %dma_wait3A_28 = tpu.memref_slice %arg6[%add3A, %dma_wait3A] : memref<32x16xf32, #tpu.memory_space<hbm>> -> memref<1x16xf32, #tpu.memory_space<hbm>>
      %dma_wait3A_29 = tpu.memref_squeeze %dma_wait3A_28 : memref<1x16xf32, #tpu.memory_space<hbm>> -> memref<16xf32, #tpu.memory_space<hbm>>
      %dma_wait3A_30 = arith.constant 0 : i32
      %dma_wait3A_31 = tpu.memref_slice %arg6[%add3A, %dma_wait3A_30] : memref<32x16xf32, #tpu.memory_space<hbm>> -> memref<1x16xf32, #tpu.memory_space<hbm>>
      %dma_wait3A_32 = tpu.memref_squeeze %dma_wait3A_31 : memref<1x16xf32, #tpu.memory_space<hbm>> -> memref<16xf32, #tpu.memory_space<hbm>>
      tpu.wait_dma2 semaphore(%run_scoped3A : memref<!tpu.dma_semaphore, #tpu.memory_space<semaphore_mem>>) src(%arg11 : memref<16xf32, #tpu.memory_space<vmem>>) dst(%dma_wait3A_32 : memref<16xf32, #tpu.memory_space<hbm>>)
      tpu.yield
    }) : () -> ()
    return
  }
}

</mosaic_0001>

<sc_bundles>
// kernel: kernel.3.cloned.1.call-start
scs
__scs_entry_jumppad:
0x0: {  	(pc) =	sbr.rel $0x88, $3  }
0x1: {  	(tag) =	ssettag $0x0;
	lr =	simm.s32 $0x1  }
0x2: {  	[smem:$0x3F9F] =	sst lr;
	_ =	strace $0xD0000000  }
0x3: {  	_ = 	snop  }
0x4: {  	_ = 	snop  }
0x5: {  	_ = 	snop  }
0x6: {  	_ = 	snop  }
0x7: {  	_ = 	snop  }
__scs_overlays_trampoline_lowered:
0x8: {  	[smem:$0x3FAE] =	sst s0  }
0x9: {  	[smem:$0x3FAF] =	sst s1  }
0xa: {  	[smem:$0x3FB0] =	sst s2  }
0xb: {  	[smem:$0x3FB1] =	sst s3  }
0xc: {  	[smem:$0x3FB2] =	sst s4  }
0xd: {  	[smem:$0x3FB3] =	sst s5  }
0xe: {  	[smem:$0x3FB4] =	sst s6  }
0xf: {  	[smem:$0x3FB5] =	sst s7  }
0x10: {  	[smem:$0x3FB6] =	sst s8  }
0x11: {  	[smem:$0x3FB7] =	sst s9;
	s0 =	simm.s32 @!p0 $0x0  }
0x12: {  	s1 =	sld [smem:$0x3F9D];
	s0 =	simm.s32 @p0 $0x1  }
0x13: {  	[smem:$0x3FB8] =	sst s0;
	s0 =	simm.s32 @!p1 $0x0  }
0x14: {  	s2 =	sld [smem:$0x3F9C];
	s0 =	simm.s32 @p1 $0x1  }
0x15: {  	[smem:$0x3FB9] =	sst s0;
	s0 =	simm.s32 @!p2 $0x0  }
0x16: {  	s3 =	sld [smem:$0x3FDB];
	s0 =	simm.s32 @p2 $0x1  }
0x17: {  	s4 =	simm.s32 $0x1BF5;
	[smem:$0x3FBB] =	sst s0  }
0x18: {  	s0 =	sld [smem:$0x3F9E];
	_ =	swait.ge [sflag:s4], $0x0  }
0x19: {  	s7 =	sld [smem:$0x3F9F]  }
0x1a: {  	s8 =	sadd.s32 $0xFFFFE003, lr  }
0x1b: {  	s9 =	sadd.s32 $0xFFFFFEF7, lr;
	s5 =	simm.s32 $0xFFFFFFFF;
	p2 =	slt.u32 s8, $0xFFFFF086  }
0x1c: {  	p1 =	slt.u32 s9, $0xF7A;
	s5 =	simm.s32 @!p2 $0x0  }
0x1d: {  	s5 =	simm.s32 @p1 $0x1;
	p0 =	seq.s32 s7, s2  }
0x1e: {  	s7 =	smul.u32 @!p0 $0xF7A, s2;
	p2 =	seq.s32 @!p0 s5, $0x0  }
0x1f: {  	s9 =	smul.u32 $0xF7A, s1;
	s8 =	simm.s32 @!p0 $0x1BF5;
	p2 =	por !p2, p0  }
0x20: {  	[sflag:s8] =	ssyncset.s32 @!p0 $0xFFFFF086;
	s6 =	sadd.s32 @!p0 s3, s7;
	s7 =	simm.s32 @!p0 $0x108  }
0x21: {  	s3 =	sadd.s32 s3, s9;
	s6 =	sadd.s32 @!p0 $0x88, s6;
	s7 =	simm.s32 @p2 $0x1082  }
0x22: {  	[simem:s7], [sflag:s8] =	dma.local @!p0 [hbm:s6], $0xF7A  }
0x23: {  	s9 =	sor.u32 $0xD0000000, s2;
	s6 =	simm.s32 $0x108;
	_ =	swait.ge @!p0 [sflag:s8], $0x0  }
0x24: {  	s3 =	sadd.s32 $0x88, s3;
	s6 =	simm.s32 @!p1 $0x1082;
	[sflag:s4] =	ssyncset.s32 $0xFFFFF086  }
0x25: {  	[simem:s6], [sflag:s4] =	dma.local [hbm:s3], $0xF7A  }
0x26: {  	[smem:$0x3F9F] =	sst s1;
	(tag) =	ssettag s2;
	_ =	strace s9  }
0x27: {  	s1 =	sld [smem:$0x3FAF]  }
0x28: {  	s2 =	sld [smem:$0x3FB0]  }
0x29: {  	s4 =	sld [smem:$0x3FB2]  }
0x2a: {  	p0 =	seq.s32 s5, $0x0;
	s5 =	sld [smem:$0x3FB3]  }
0x2b: {  	s6 =	sld [smem:$0x3FB4]  }
0x2c: {  	s7 =	sld [smem:$0x3FB5]  }
0x2d: {  	s3 =	simm.s32 $0x108;
	s8 =	sld [smem:$0x3FB6]  }
0x2e: {  	s3 =	simm.s32 @!p0 $0x1082;
	s9 =	sld [smem:$0x3FB7]  }
0x2f: {  	lr =	sadd.s32 s0, s3;
	s0 =	sld [smem:$0x3FAE]  }
0x30: {  	s3 =	sld [smem:$0x3FB1]  }
0x31: {  	[smem:$0x3FBA] =	sst s10  }
0x32: {  	s10 =	sld [smem:$0x3FB8];
	_ =	sdelay $0x3  }
0x33: {  	p0 =	seq.s32 s10, $0x1;
	s10 =	sld [smem:$0x3FBA];
	_ =	sdelay $0x3  }
0x34: {  	[smem:$0x3FBA] =	sst s10  }
0x35: {  	s10 =	sld [smem:$0x3FB9];
	_ =	sdelay $0x3  }
0x36: {  	p1 =	seq.s32 s10, $0x1;
	s10 =	sld [smem:$0x3FBA];
	_ =	sdelay $0x3  }
0x37: {  	[smem:$0x3FBA] =	sst s10  }
0x38: {  	s10 =	sld [smem:$0x3FBB]  }
0x39: {  	_ = 	snop;
	(pc) =	sbr.ind lr, $3  }
0x3a: {  	_ = 	snop  }
0x3b: {  	_ = 	snop  }
0x3c: {  	p2 =	seq.s32 s10, $0x1;
	s10 =	sld [smem:$0x3FBA]  }
0x3d: {  	_ =	shalt  }
0x3e: {  	_ =	shalt  }
0x3f: {  	_ =	shalt  }
0x40: {  	_ =	shalt  }
0x41: {  	_ =	shalt  }
0x42: {  	_ =	shalt  }
0x43: {  	_ =	shalt  }
0x44: {  	_ =	shalt  }
0x45: {  	_ =	shalt  }
0x46: {  	_ =	shalt  }
0x47: {  	_ =	shalt  }
0x48: {  	_ =	shalt  }
0x49: {  	_ =	shalt  }
0x4a: {  	_ =	shalt  }
0x4b: {  	_ =	shalt  }
0x4c: {  	_ =	shalt  }
0x4d: {  	_ =	shalt  }
0x4e: {  	_ =	shalt  }
0x4f: {  	_ =	shalt  }
0x50: {  	_ =	shalt  }
0x51: {  	_ =	shalt  }
0x52: {  	_ =	shalt  }
0x53: {  	_ =	shalt  }
0x54: {  	_ =	shalt  }
0x55: {  	_ =	shalt  }
0x56: {  	_ =	shalt  }
0x57: {  	_ =	shalt  }
0x58: {  	_ =	shalt  }
0x59: {  	_ =	shalt  }
0x5a: {  	_ =	shalt  }
0x5b: {  	_ =	shalt  }
0x5c: {  	_ =	shalt  }
0x5d: {  	_ =	shalt  }
0x5e: {  	_ =	shalt  }
0x5f: {  	_ =	shalt  }
0x60: {  	_ =	shalt  }
0x61: {  	_ =	shalt  }
0x62: {  	_ =	shalt  }
0x63: {  	_ =	shalt  }
0x64: {  	_ =	shalt  }
0x65: {  	_ =	shalt  }
0x66: {  	_ =	shalt  }
0x67: {  	_ =	shalt  }
0x68: {  	_ =	shalt  }
0x69: {  	_ =	shalt  }
0x6a: {  	_ =	shalt  }
0x6b: {  	_ =	shalt  }
0x6c: {  	_ =	shalt  }
0x6d: {  	_ =	shalt  }
0x6e: {  	_ =	shalt  }
0x6f: {  	_ =	shalt  }
0x70: {  	_ =	shalt  }
0x71: {  	_ =	shalt  }
0x72: {  	_ =	shalt  }
0x73: {  	_ =	shalt  }
0x74: {  	_ =	shalt  }
0x75: {  	_ =	shalt  }
0x76: {  	_ =	shalt  }
0x77: {  	_ =	shalt  }
0x78: {  	_ =	shalt  }
0x79: {  	_ =	shalt  }
0x7a: {  	_ =	shalt  }
0x7b: {  	_ =	shalt  }
0x7c: {  	_ =	shalt  }
0x7d: {  	_ =	shalt  }
0x7e: {  	_ =	shalt  }
0x7f: {  	_ =	shalt  }
0x80: {  	_ =	shalt  }
0x81: {  	_ =	shalt  }
0x82: {  	_ =	shalt  }
0x83: {  	_ =	shalt  }
0x84: {  	_ =	shalt  }
0x85: {  	_ =	shalt  }
0x86: {  	_ =	shalt  }
0x87: {  	_ =	shalt  }
.Lfunc_end0:
.L_simem_size_0:
called_computation_lowered:
.L_overlay_start_0:
0x88: {  	s2 =	sld [smem:$0x3FD9]  }
0x89: {  	s3 =	sld [smem:$0x3FFE];
	_ =	sdelay $0x1  }
0x8a: {  	s1 =	srdreg.scid  }
0x8b: {  	s0 =	sand.u32 $0x1, s1  }
0x8c: {  	s16 =	sshll.u32 s0, $0xA;
	s2 =	sadd.s32 s3, s2  }
0x8d: {  	s2 =	sadd.s32 s2, s16  }
0x8e: {  	[smem:$0x3FC6] =	sst s2  }
0x8f: {  	_ = 	snop  }
0x90: {  	(tm) =	ssettm $0x1  }
0x91: {  	s17 =	sld [smem:$0x3FFB];
	_ =	sdelay $0x3  }
0x92: {  	_ =	strace s17  }
0x93: {  	s2 =	sld [smem:$0x3FFC];
	_ =	sdelay $0x3  }
0x94: {  	_ =	strace s2  }
0x95: {  	s2 =	sld [smem:$0x3FFD];
	_ =	sdelay $0x3  }
0x96: {  	_ =	strace s2  }
0x97: {  	_ =	strace $0x8FFFFFFF  }
0x98: {  	s18 =	sld [smem:$0x3FDB];
	_ =	sdelay $0x1  }
0x99: {  	s19 =	simm.s32 $_scs_section_size  }
0x9a: {  	s4 =	simm.s32 $_size__tile_overlayer_lowered;
	s5 =	simm.s32 $_tile_overlayer_lowered  }
0x9b: {  	s22 =	simm.s32 $0x1BFF;
	s21 =	sshll.u32 s5, $0x1;
	s2 =	sadd.s32 s19, s18  }
0x9c: {  	s6 =	simm.s32 $0x0;
	s20 =	sshll.u32 s4, $0x1;
	s4 =	sadd.s32 s21, s2  }
0x9d: {  	[timem:s6], [sflag:s22] =	dma.local [hbm:s4], s20  }
0x9e: {  	_ =	swait.ge [sflag:s22], s20  }
0x9f: {  	s3 =	ssub.s32 $0x0, s20;
	[sflag:s22] =	ssyncset.done $0x0  }
0xa0: {  	[sflag:s22] =	ssyncadd.s32 s3;
	_ =	sdelay $0x1  }
0xa1: {  	s23 =	simm.s32 $0x1B8B  }
0xa2: {  	_ =	swait.ge [sflag:s23], $0x1  }
0xa3: {  	[sflag:s23] =	ssyncset.done $0x0  }
0xa4: {  	s25 =	simm.s32 $0x1B8E;
	s24 =	sld [smem:$0x3FFE];
	[sflag:s23] =	ssyncadd.s32 $0xFFFFFFFF  }
0xa5: {  	s26 =	simm.s32 $execute0_lowered;
	[smem:$0x3FD2] =	sst s25  }
0xa6: {  	s4 =	sshll.u32 s26, $0x1;
	_ =	strace $0x80000046;
	[dreg:$0x1] =	wrdreg $0xFFFFFFFF  }
0xa7: {  	s28 =	simm.s32 $_size_execute0_lowered;
	s2 =	sadd.s32 s2, s4;
	[dreg:$0x0] =	wrdreg $0x0  }
0xa8: {  	s4 =	sshll.u32 s28, $0x1;
	[dreg:$0x2] =	wrdreg s2  }
0xa9: {  	[dreg:$0x3] =	wrdreg s4  }
0xaa: {  	[dreg:$0x4] =	wrdreg $0xC0  }
0xab: {  	_ =	task [dreg:s6], $0x5FFFF  }
0xac: {  	[dreg:$0x1] =	wrdreg $0xFFFFFFFF  }
0xad: {  	[dreg:$0x0] =	wrdreg $0x60  }
0xae: {  	[dreg:$0x2] =	wrdreg s24  }
0xaf: {  	[dreg:$0x3] =	wrdreg $0x9  }
0xb0: {  	_ =	task.clear_ibuf [dreg:s6], $0x4FFFF;
	_ =	strace $0x90000046  }
0xb1: {  	s29 =	simm.s32 $0x9;
	_ =	strace $0x80000048  }
0xb2: {  	_ =	swait.ge [sflag:s29], $0x1  }
0xb3: {  	[sflag:s29] =	ssyncadd.s32 $0xFFFFFFFF  }
0xb4: {  	_ =	strace $0x90000048  }
0xb5: {  	_ =	sfence  }
0xb6: {  	s30 =	sld [smem:$0x0];
	_ =	sdelay $0x2  }
0xb7: {  	s31 =	sshll.u32 s1, $0xD;
	s1 =	sshrl.u32 s1, $0x2  }
0xb8: {  	s3 =	sand.u32 $0x4000, s31;
	s1 =	sadd.s32 s1, s30  }
0xb9: {  	s0 =	sor.u32 s3, s0;
	s1 =	sshll.u32 s1, $0x11  }
0xba: {  	s0 =	sor.u32 s1, s0  }
0xbb: {  	s0 =	sadd.s32 $0x8F2B, s0  }
0xbc: {  	[sflag:s0] =	ssyncadd.remote.s32 $0x1  }
0xbd: {  	_ =	sfence.sel $0xFFFF  }
0xbe: {  	[dreg:$0x0] =	wrdreg $0xFFFFFFFF;
	(pc) =	sbr.abs _section_cstart, $3  }
0xbf: {  	[dreg:$0x1] =	wrdreg $0xFFFFFFFF  }
0xc0: {  	_ =	task.clear_ibuf [dreg:s6], $0x2FFFF;
	_ =	strace $0x9FFFFFFF  }
0xc1: {  	(tm) =	ssettm $0x7FFFFFFF  }
tec
execute0_lowered:
.L_overlay_start_1:
0x0: {  	(tag) =	ssettag $0x1  }
0x1: {  	s1 =	srdreg.scid  }
0x2: {  	s0 =	stileid.u32;
	s3 =	rddreg [dreg:$0x0];
	s2 =	simm.s32 $0x0  }
0x3: {  	s10 =	simm.s32 $0x1000;
	s11 =	simm.s32 $0x2000;
	s12 =	simm.s32 $0x4000  }
0x4: {  	s13 =	simm.s32 $0x6000;
	s4 =	sand.u32 $0x1, s1;
	s1 =	rddreg [dreg:$0x1]  }
0x5: {  	s14 =	simm.s32 $0x0;
	s5 =	sshll.u32 s0, $0x1;
	[smem:$0x7FF] =	sst s2  }
0x6: {  	s5 =	sor.u32 s4, s5;
	_ =	strace $0x80000047;
	s4 =	ssub.s32 $0x2, s4  }
0x7: {  	s6 =	sshll.u32 s5, $0x9;
	s7 =	sshll.u32 s5, $0xA;
	s5 =	sshll.u32 s5, $0x4  }
0x8: {  	v0 =	vlaneseq.u32;
	s8 =	sshrl.u32 s4, $0x1;
	s6 =	sadd.s32 s6, s3;
	s7 =	sadd.s32 s7, s3  }
0x9: {  	v1 =	vor.u32 $0x10, v0;
	s9 =	sadd.s32 s5, s3;
	s8 =	ssub.s32 s4, s8;
	s3 =	sadd.s32 $0x14800, s6  }
0xa: {  	v2 =	vor.u32 $0x20, v0;
	v3 =	vor.u32 $0x30, v0;
	v4 =	vor.u32 $0x40, v0;
	s4 =	sadd.s32 $0x10800, s6;
	s5 =	sadd.s32 $0x8800, s7;
	s6 =	sadd.s32 $0x800, s7  }
0xb: {  	v5 =	vor.u32 $0x50, v0;
	v6 =	vor.u32 $0x60, v0;
	v7 =	vor.u32 $0x70, v0;
	s7 =	sadd.s32 $0x18800, s9;
	s8 =	smax.u32 s8, $0x1;
	s9 =	simm.s32 $0x1  }
.LBB2_1:
0xc: {  	[tilespmem:s2], [sflag:$0x1] =	stream.linear.gather [hbm4b:s3+s2], $0x1000, $0x38;
	[tilespmem:$0x6080] =	vst v63  }
0xd: {  	_ =	swait.ge [sflag:s9], $0x1000  }
0xe: {  	[sflag:s9] =	ssyncset.done $0x0  }
0xf: {  	[sflag:s9] =	ssyncadd.s32 $0xFFFFF000  }
0x10: {  	[tilespmem:s10], [sflag:$0x1] =	stream.linear.gather [hbm4b:s4+s2], $0x1000, $0x38;
	[tilespmem:$0x6080] =	vst v63  }
0x11: {  	_ =	swait.ge [sflag:s9], $0x1000  }
0x12: {  	[sflag:s9] =	ssyncset.done $0x0  }
0x13: {  	[sflag:s9] =	ssyncadd.s32 $0xFFFFF000  }
0x14: {  	[tilespmem:s11], [sflag:$0x1] =	stream.linear.gather [hbm4b:s5+s2], $0x2000, $0x38;
	[tilespmem:$0x6080] =	vst v63  }
0x15: {  	_ =	swait.ge [sflag:s9], $0x2000  }
0x16: {  	[sflag:s9] =	ssyncset.done $0x0  }
0x17: {  	[sflag:s9] =	ssyncadd.s32 $0xFFFFE000  }
0x18: {  	[tilespmem:s12], [sflag:$0x1] =	stream.linear.gather [hbm4b:s6+s2], $0x2000, $0x38;
	[tilespmem:$0x6080] =	vst v63  }
0x19: {  	_ =	swait.ge [sflag:s9], $0x2000  }
0x1a: {  	s15 =	simm.f32 $0.0e+00;
	[sflag:s9] =	ssyncset.done $0x0  }
0x1b: {  	s16 =	simm.s32 $0x0;
	s17 =	simm.s32 $0x0;
	[sflag:s9] =	ssyncadd.s32 $0xFFFFE000  }
.LBB2_2:
0x1c: {  	s18 =	sshll.u32 s17, $0x7  }
0x1d: {  	v10 =	vld [tilespmem:s18+$0x0]  }
0x1e: {  	v8 =	vld [tilespmem:s18+$0x10]  }
0x1f: {  	v9 =	vld [tilespmem:s18+$0x20]  }
0x20: {  	v11 =	vld [tilespmem:s18+$0x30]  }
0x21: {  	v13 =	vld [tilespmem:s18+$0x40]  }
0x22: {  	v17 =	vld [tilespmem:s18+$0x50]  }
0x23: {  	v18 =	vld [tilespmem:s18+$0x60]  }
0x24: {  	v20 =	vld [tilespmem:s18+$0x70]  }
0x25: {  	v14 =	vld [tilespmem:s18+$0x1000]  }
0x26: {  	v12 =	vld [tilespmem:s18+$0x1010]  }
0x27: {  	s19 =	sadd.s32 $0x0, s16;
	v15 =	vld [tilespmem:s18+$0x1020]  }
0x28: {  	v16 =	vld [tilespmem:s18+$0x1030];
	v24 =	vadd.s32 s19, v7  }
0x29: {  	v19 =	vld [tilespmem:s18+$0x1040]  }
0x2a: {  	v21 =	vld [tilespmem:s18+$0x1050];
	v25 =	vadd.s32 s19, v6  }
0x2b: {  	v22 =	vld [tilespmem:s18+$0x1060]  }
0x2c: {  	v23 =	vld [tilespmem:s18+$0x1070];
	v26 =	vadd.s32 s19, v5  }
0x2d: {  	v27 =	vld.idx.msk [tilespmem:v24+s12+$0x0], $0xffff  }
0x2e: {  	v28 =	vadd.s32 s19, v4;
	v24 =	vld.idx.msk [tilespmem:v24+s11+$0x0], $0xffff  }
0x2f: {  	v29 =	vld.idx.msk [tilespmem:v25+s12+$0x0], $0xffff  }
0x30: {  	v30 =	vadd.s32 s19, v3;
	v25 =	vld.idx.msk [tilespmem:v25+s11+$0x0], $0xffff  }
0x31: {  	v31 =	vld.idx.msk [tilespmem:v26+s12+$0x0], $0xffff  }
0x32: {  	v32 =	vadd.s32 s19, v0;
	v26 =	vld.idx.msk [tilespmem:v26+s11+$0x0], $0xffff  }
0x33: {  	v33 =	vadd.s32 s19, v2;
	v34 =	vld.idx.msk [tilespmem:v28+s12+$0x0], $0xffff  }
0x34: {  	v28 =	vld.idx.msk [tilespmem:v28+s11+$0x0], $0xffff  }
0x35: {  	v36 =	vadd.s32 s19, v1;
	v35 =	vld.idx.msk [tilespmem:v30+s12+$0x0], $0xffff  }
0x36: {  	v30 =	vld.idx.msk [tilespmem:v30+s11+$0x0], $0xffff  }
0x37: {  	s19 =	sadd.s32 $0x1, s16;
	v37 =	vld.idx.msk [tilespmem:v32+s11+$0x0], $0xffff  }
0x38: {  	v39 =	vadd.s32 s19, v6;
	v42 =	vadd.s32 s19, v7;
	v38 =	vld.idx.msk [tilespmem:v33+s12+$0x0], $0xffff  }
0x39: {  	v44 =	vadd.s32 s19, v5;
	v32 =	vld.idx.msk [tilespmem:v32+s12+$0x0], $0xffff;
	v48 =	vsub.f32 v23, v27;
	v29 =	vsub.f32 v22, v29  }
0x3a: {  	v40 =	vld.idx.msk [tilespmem:v36+s12+$0x0], $0xffff;
	v45 =	vsub.f32 v20, v24;
	v43 =	vsub.f32 v18, v25;
	v27 =	vadd.s32 s19, v4  }
0x3b: {  	v36 =	vld.idx.msk [tilespmem:v36+s11+$0x0], $0xffff;
	v41 =	vsub.f32 v17, v26;
	v31 =	vsub.f32 v21, v31;
	v26 =	vadd.s32 s19, v3  }
0x3c: {  	v33 =	vld.idx.msk [tilespmem:v33+s11+$0x0], $0xffff;
	v34 =	vsub.f32 v19, v34;
	v24 =	vadd.s32 s19, v2;
	v37 =	vsub.f32 v10, v37  }
0x3d: {  	v28 =	vsub.f32 v13, v28;
	v25 =	vadd.s32 s19, v0;
	v30 =	vsub.f32 v11, v30  }
0x3e: {  	v35 =	vsub.f32 v16, v35;
	v32 =	vsub.f32 v14, v32;
	v37 =	vand.u32 $0x7FFFFFFF, v37  }
0x3f: {  	v38 =	vsub.f32 v15, v38;
	v40 =	vsub.f32 v12, v40;
	v46 =	vmin.f32 v37, $1.000000000e+00  }
0x40: {  	v36 =	vsub.f32 v8, v36;
	v32 =	vand.u32 $0x7FFFFFFF, v32;
	v47 =	vmul.f32 $5.000000000e-01, v46  }
0x41: {  	v33 =	vsub.f32 v9, v33;
	v40 =	vand.u32 $0x7FFFFFFF, v40;
	v49 =	vmin.f32 v32, $1.000000000e+00  }
0x42: {  	v36 =	vand.u32 $0x7FFFFFFF, v36;
	v61 =	vmul.f32 $5.000000000e-01, v49;
	v37 =	vsub.f32 v37, v47  }
0x43: {  	v33 =	vand.u32 $0x7FFFFFFF, v33;
	v50 =	vmin.f32 v36, $1.000000000e+00;
	v51 =	vmin.f32 v40, $1.000000000e+00  }
0x44: {  	v62 =	vmul.f32 $5.000000000e-01, v50;
	v32 =	vsub.f32 v32, v61;
	v37 =	vmul.f32 v37, v46  }
0x45: {  	v38 =	vand.u32 $0x7FFFFFFF, v38;
	v52 =	vmin.f32 v33, $1.000000000e+00;
	v63 =	vmul.f32 $5.000000000e-01, v51  }
0x46: {  	v36 =	vsub.f32 v36, v62;
	v32 =	vmul.f32 v32, v49;
	v37 =	vadd.f32 $0.0e+00, v37  }
0x47: {  	v30 =	vand.u32 $0x7FFFFFFF, v30;
	v56 =	vmin.f32 v38, $1.000000000e+00;
	v55 =	vmul.f32 $5.000000000e-01, v52  }
0x48: {  	v40 =	vsub.f32 v40, v63;
	v36 =	vmul.f32 v36, v50;
	v32 =	vadd.f32 v32, v37  }
0x49: {  	v35 =	vand.u32 $0x7FFFFFFF, v35;
	v58 =	vmin.f32 v30, $1.000000000e+00;
	v57 =	vmul.f32 $5.000000000e-01, v56  }
0x4a: {  	v33 =	vsub.f32 v33, v55;
	v59 =	vmul.f32 v40, v51;
	v32 =	vadd.f32 v36, v32  }
0x4b: {  	v28 =	vand.u32 $0x7FFFFFFF, v28;
	v34 =	vand.u32 $0x7FFFFFFF, v34;
	v60 =	vmul.f32 $5.000000000e-01, v58  }
0x4c: {  	v62 =	vsub.f32 v38, v57;
	v33 =	vmul.f32 v33, v52;
	v32 =	vadd.f32 v59, v32  }
0x4d: {  	v31 =	vand.u32 $0x7FFFFFFF, v31;
	v61 =	vmin.f32 v35, $1.000000000e+00;
	v30 =	vsub.f32 v30, v60  }
0x4e: {  	v63 =	vmul.f32 $5.000000000e-01, v61;
	v53 =	vmul.f32 v62, v56;
	v32 =	vadd.f32 v33, v32  }
0x4f: {  	v55 =	vmin.f32 v34, $1.000000000e+00;
	v52 =	vmin.f32 v28, $1.000000000e+00;
	v30 =	vmul.f32 v30, v58  }
0x50: {  	v54 =	vmul.f32 $5.000000000e-01, v52;
	v57 =	vsub.f32 v35, v63;
	v32 =	vadd.f32 v53, v32  }
0x51: {  	v56 =	vand.u32 $0x7FFFFFFF, v41;
	v58 =	vmul.f32 $5.000000000e-01, v55;
	v41 =	vmin.f32 v31, $1.000000000e+00  }
0x52: {  	v60 =	vmul.f32 v57, v61;
	v28 =	vsub.f32 v28, v54;
	v30 =	vadd.f32 v30, v32  }
0x53: {  	v40 =	vand.u32 $0x7FFFFFFF, v43;
	v62 =	vsub.f32 v34, v58;
	v59 =	vmin.f32 v56, $1.000000000e+00  }
0x54: {  	v35 =	vld.idx.msk [tilespmem:v42+s12+$0x0], $0xffff;
	v28 =	vmul.f32 v28, v52;
	v61 =	vmul.f32 $5.000000000e-01, v59;
	v30 =	vadd.f32 v60, v30  }
0x55: {  	v63 =	vmul.f32 $5.000000000e-01, v41;
	v34 =	vld.idx.msk [tilespmem:v42+s11+$0x0], $0xffff;
	v42 =	vand.u32 $0x7FFFFFFF, v29;
	v33 =	vmin.f32 v40, $1.000000000e+00  }
0x56: {  	v38 =	vld.idx.msk [tilespmem:v39+s11+$0x0], $0xffff;
	v46 =	vsub.f32 v56, v61;
	v32 =	vmul.f32 v62, v55;
	v30 =	vadd.f32 v28, v30  }
0x57: {  	v29 =	vand.u32 $0x7FFFFFFF, v45;
	v47 =	vsub.f32 v31, v63;
	v37 =	vld.idx.msk [tilespmem:v44+s12+$0x0], $0xffff;
	v43 =	vmul.f32 $5.000000000e-01, v33  }
0x58: {  	v36 =	vld.idx.msk [tilespmem:v39+s12+$0x0], $0xffff;
	v46 =	vmul.f32 v46, v59;
	v28 =	vmin.f32 v42, $1.000000000e+00;
	v45 =	vadd.f32 v32, v30  }
0x59: {  	s20 =	simm.s32 $0x2;
	s18 =	simm.f32 $+Inf;
	v31 =	vand.u32 $0x7FFFFFFF, v48;
	v39 =	vld.idx.msk [tilespmem:v44+s11+$0x0], $0xffff;
	v44 =	vmul.f32 $5.000000000e-01, v28;
	v30 =	vmin.f32 v29, $1.000000000e+00  }
.LBB2_3:
0x5a: {  	p0 =	sne.s32 s20, $0x7F;
	v48 =	vld.idx.msk [tilespmem:v27+s12+$0x0], $0xffff;
	v32 =	vadd.f32 v46, v45;
	v41 =	vmul.f32 v47, v41;
	v40 =	vsub.f32 v40, v43  }
0x5b: {  	v45 =	vmin.f32 v31, $1.000000000e+00;
	v43 =	vld.idx.msk [tilespmem:v27+s11+$0x0], $0xffff;
	v27 =	vmul.f32 $5.000000000e-01, v30  }
0x5c: {  	v46 =	vld.idx.msk [tilespmem:v26+s12+$0x0], $0xffff;
	v32 =	vadd.f32 v41, v32;
	v33 =	vmul.f32 v40, v33;
	v40 =	vsub.f32 v42, v44  }
0x5d: {  	v41 =	vadd.s32 s19, v1;
	v42 =	vld.idx.msk [tilespmem:v26+s11+$0x0], $0xffff;
	v26 =	vmul.f32 $5.000000000e-01, v45  }
0x5e: {  	s19 =	sadd.s32 s20, s16;
	v27 =	vsub.f32 v29, v27;
	v44 =	vld.idx.msk [tilespmem:v24+s12+$0x0], $0xffff;
	v47 =	vadd.f32 v33, v32;
	v40 =	vmul.f32 v40, v28  }
0x5f: {  	v28 =	vadd.s32 s19, v6;
	v33 =	vadd.s32 s19, v7;
	v32 =	vsub.f32 v23, v35;
	v49 =	vld.idx.msk [tilespmem:v25+s11+$0x0], $0xffff  }
0x60: {  	v27 =	vmul.f32 v27, v30;
	v26 =	vsub.f32 v31, v26;
	v35 =	vld.idx.msk [tilespmem:v24+s11+$0x0], $0xffff;
	v24 =	vadd.f32 v40, v47  }
0x61: {  	v36 =	vsub.f32 v22, v36;
	v29 =	vsub.f32 v20, v34;
	v30 =	vadd.s32 s19, v5;
	v31 =	vld.idx.msk [tilespmem:v25+s12+$0x0], $0xffff  }
0x62: {  	v38 =	vsub.f32 v18, v38;
	v25 =	vmul.f32 v26, v45;
	v34 =	vld.idx.msk [tilespmem:v41+s12+$0x0], $0xffff;
	v24 =	vadd.f32 v27, v24  }
0x63: {  	v37 =	vsub.f32 v21, v37;
	v39 =	vsub.f32 v17, v39;
	v27 =	vadd.s32 s19, v4;
	v40 =	vld.idx.msk [tilespmem:v41+s11+$0x0], $0xffff  }
0x64: {  	v26 =	vadd.s32 s19, v3;
	v41 =	vsub.f32 v19, v48;
	v45 =	vadd.f32 v25, v24  }
0x65: {  	v43 =	vsub.f32 v13, v43;
	v24 =	vadd.s32 s19, v2;
	v47 =	vsub.f32 v10, v49  }
0x66: {  	v46 =	vsub.f32 v16, v46;
	v42 =	vsub.f32 v11, v42;
	v25 =	vadd.s32 s19, v0;
	(xrf2) =	vadd.scan.msk.f32 $0xffff, v45  }
0x67: {  	v44 =	vsub.f32 v15, v44;
	v45 =	vand.u32 $0x7FFFFFFF, v47;
	v31 =	vsub.f32 v14, v31  }
0x68: {  	v35 =	vsub.f32 v9, v35;
	v47 =	vmin.f32 v45, $1.000000000e+00;
	v34 =	vsub.f32 v12, v34  }
0x69: {  	v48 =	vmul.f32 $5.000000000e-01, v47;
	v31 =	vand.u32 $0x7FFFFFFF, v31;
	v40 =	vsub.f32 v8, v40  }
0x6a: {  	v42 =	vand.u32 $0x7FFFFFFF, v42;
	v49 =	vmin.f32 v31, $1.000000000e+00;
	v34 =	vand.u32 $0x7FFFFFFF, v34  }
0x6b: {  	v45 =	vsub.f32 v45, v48;
	v48 =	vmul.f32 $5.000000000e-01, v49;
	v40 =	vand.u32 $0x7FFFFFFF, v40  }
0x6c: {  	v35 =	vand.u32 $0x7FFFFFFF, v35;
	v51 =	vmin.f32 v34, $1.000000000e+00;
	v50 =	vmin.f32 v40, $1.000000000e+00  }
0x6d: {  	v45 =	vmul.f32 v45, v47;
	v31 =	vsub.f32 v31, v48;
	v47 =	vmul.f32 $5.000000000e-01, v50  }
0x6e: {  	v44 =	vand.u32 $0x7FFFFFFF, v44;
	v52 =	vmin.f32 v35, $1.000000000e+00;
	v48 =	vmul.f32 $5.000000000e-01, v51  }
0x6f: {  	v45 =	vadd.f32 $0.0e+00, v45;
	v31 =	vmul.f32 v31, v49;
	v40 =	vsub.f32 v40, v47  }
0x70: {  	v34 =	vsub.f32 v34, v48;
	v47 =	vmul.f32 $5.000000000e-01, v52;
	v48 =	vmin.f32 v44, $1.000000000e+00;
	v49, _, _ =	vpop (xrf2)  }
0x71: {  	v31 =	vadd.f32 v31, v45;
	v40 =	vmul.f32 v40, v50;
	(v2sf) =	vpush v49, $0xF  }
0x72: {  	v46 =	vand.u32 $0x7FFFFFFF, v46;
	v45 =	vmul.f32 $5.000000000e-01, v48;
	v49 =	vmin.f32 v42, $1.000000000e+00  }
0x73: {  	v34 =	vmul.f32 v34, v51;
	v35 =	vsub.f32 v35, v47;
	v31 =	vadd.f32 v40, v31  }
0x74: {  	v43 =	vand.u32 $0x7FFFFFFF, v43;
	v47 =	vmin.f32 v46, $1.000000000e+00;
	v40 =	vmul.f32 $5.000000000e-01, v49  }
0x75: {  	v31 =	vadd.f32 v34, v31;
	v34 =	vmul.f32 v35, v52;
	v35 =	vsub.f32 v44, v45  }
0x76: {  	v50 =	vand.u32 $0x7FFFFFFF, v41;
	v44 =	vmul.f32 $5.000000000e-01, v47;
	v45 =	vmin.f32 v43, $1.000000000e+00  }
0x77: {  	v31 =	vadd.f32 v34, v31;
	v34 =	vmul.f32 v35, v48;
	v35 =	vsub.f32 v42, v40  }
0x78: {  	v39 =	vand.u32 $0x7FFFFFFF, v39;
	v40 =	vmul.f32 $5.000000000e-01, v45;
	v48 =	vmin.f32 v50, $1.000000000e+00  }
0x79: {  	v31 =	vadd.f32 v34, v31;
	v34 =	vmul.f32 v35, v49;
	v35 =	vsub.f32 v46, v44  }
0x7a: {  	v42 =	vmul.f32 $5.000000000e-01, v48;
	v44 =	vmin.f32 v39, $1.000000000e+00;
	v49 =	vand.u32 $0x7FFFFFFF, v37  }
0x7b: {  	v37 =	vsub.f32 v43, v40;
	v31 =	vadd.f32 v34, v31;
	v34 =	vmul.f32 v35, v47  }
0x7c: {  	v40 =	vand.u32 $0x7FFFFFFF, v38;
	v43 =	vmul.f32 $5.000000000e-01, v44;
	v41 =	vmin.f32 v49, $1.000000000e+00  }
0x7d: {  	v38 =	vsub.f32 v50, v42;
	v37 =	vmul.f32 v37, v45;
	v31 =	vadd.f32 v34, v31;
	v35 =	vld.idx.msk [tilespmem:v33+s12+$0x0], $0xffff  }
.Ltmp0:
0x7e: {  	v42 =	vand.u32 $0x7FFFFFFF, v36;
	v47 =	vmul.f32 $5.000000000e-01, v41;
	v34 =	vld.idx.msk [tilespmem:v33+s11+$0x0], $0xffff;
	v33 =	vmin.f32 v40, $1.000000000e+00;
	(pc) =	sbr.rel @p0 .LBB2_3-.Ltmp0, $4  }
0x7f: {  	v45 =	vmul.f32 v38, v48;
	v39 =	vsub.f32 v39, v43;
	v31 =	vadd.f32 v37, v31;
	v36 =	vld.idx.msk [tilespmem:v28+s12+$0x0], $0xffff  }
0x80: {  	v29 =	vand.u32 $0x7FFFFFFF, v29;
	v43 =	vmul.f32 $5.000000000e-01, v33;
	v38 =	vld.idx.msk [tilespmem:v28+s11+$0x0], $0xffff;
	v28 =	vmin.f32 v42, $1.000000000e+00;
	s21 =	spop (v2sf)  }
0x81: {  	v47 =	vsub.f32 v49, v47;
	v46 =	vmul.f32 v39, v44;
	v45 =	vadd.f32 v45, v31;
	v37 =	vld.idx.msk [tilespmem:v30+s12+$0x0], $0xffff;
	s18 =	smin.f32 s18, s21  }
0x82: {  	s20 =	sadd.s32 $0x1, s20;
	v31 =	vand.u32 $0x7FFFFFFF, v32;
	v44 =	vmul.f32 $5.000000000e-01, v28;
	v39 =	vld.idx.msk [tilespmem:v30+s11+$0x0], $0xffff;
	v30 =	vmin.f32 v29, $1.000000000e+00  }
0x83: {  	_ =	sdelay $0x3  }
0x84: {  	v32 =	vld.idx.msk [tilespmem:v27+s12+$0x0], $0xffff  }
0x85: {  	v60 =	vld.idx.msk [tilespmem:v27+s11+$0x0], $0xffff  }
0x86: {  	v48 =	vld.idx.msk [tilespmem:v26+s12+$0x0], $0xffff;
	v49 =	vadd.s32 s19, v1  }
0x87: {  	v45 =	vadd.f32 v46, v45;
	v40 =	vsub.f32 v40, v43;
	v62 =	vld.idx.msk [tilespmem:v25+s11+$0x0], $0xffff  }
0x88: {  	v41 =	vmul.f32 v47, v41;
	v23 =	vsub.f32 v23, v35;
	v47 =	vld.idx.msk [tilespmem:v25+s12+$0x0], $0xffff;
	v20 =	vsub.f32 v20, v34  }
0x89: {  	v61 =	vld.idx.msk [tilespmem:v26+s11+$0x0], $0xffff;
	v42 =	vsub.f32 v42, v44;
	v22 =	vsub.f32 v22, v36  }
0x8a: {  	v35 =	vmul.f32 $5.000000000e-01, v30;
	v52 =	vld.idx.msk [tilespmem:v24+s11+$0x0], $0xffff;
	v41 =	vadd.f32 v41, v45;
	v18 =	vsub.f32 v18, v38  }
0x8b: {  	v36 =	vmin.f32 v31, $1.000000000e+00;
	v21 =	vsub.f32 v21, v37;
	v17 =	vsub.f32 v17, v39;
	v51 =	vld.idx.msk [tilespmem:v49+s11+$0x0], $0xffff  }
0x8c: {  	v63 =	vld.idx.msk [tilespmem:v24+s12+$0x0], $0xffff;
	v33 =	vmul.f32 v40, v33;
	v19 =	vsub.f32 v19, v32;
	v10 =	vsub.f32 v10, v62  }
0x8d: {  	v24 =	vand.u32 $0x7FFFFFFF, v22;
	v50 =	vld.idx.msk [tilespmem:v49+s12+$0x0], $0xffff;
	v13 =	vsub.f32 v13, v60;
	v14 =	vsub.f32 v14, v47  }
0x8e: {  	v11 =	vsub.f32 v11, v61;
	v16 =	vsub.f32 v16, v48;
	v10 =	vand.u32 $0x7FFFFFFF, v10  }
0x8f: {  	v9 =	vsub.f32 v9, v52;
	v14 =	vand.u32 $0x7FFFFFFF, v14;
	v53 =	vmin.f32 v10, $1.000000000e+00  }
0x90: {  	v55 =	vmin.f32 v14, $1.000000000e+00;
	v54 =	vmul.f32 $5.000000000e-01, v53;
	v8 =	vsub.f32 v8, v51  }
0x91: {  	v15 =	vsub.f32 v15, v63;
	v9 =	vand.u32 $0x7FFFFFFF, v9;
	v56 =	vmul.f32 $5.000000000e-01, v55  }
0x92: {  	v12 =	vsub.f32 v12, v50;
	v10 =	vsub.f32 v10, v54;
	v8 =	vand.u32 $0x7FFFFFFF, v8  }
0x93: {  	v15 =	vand.u32 $0x7FFFFFFF, v15;
	v14 =	vsub.f32 v14, v56;
	v57 =	vmin.f32 v8, $1.000000000e+00  }
0x94: {  	v12 =	vand.u32 $0x7FFFFFFF, v12;
	v10 =	vmul.f32 v10, v53;
	v59 =	vmul.f32 $5.000000000e-01, v57  }
0x95: {  	v61 =	vmin.f32 v9, $1.000000000e+00;
	v58 =	vmin.f32 v12, $1.000000000e+00;
	v14 =	vmul.f32 v14, v55  }
0x96: {  	v60 =	vmul.f32 $5.000000000e-01, v58;
	v10 =	vadd.f32 $0.0e+00, v10;
	v8 =	vsub.f32 v8, v59  }
0x97: {  	v11 =	vand.u32 $0x7FFFFFFF, v11;
	v63 =	vmin.f32 v15, $1.000000000e+00;
	v62 =	vmul.f32 $5.000000000e-01, v61  }
0x98: {  	v12 =	vsub.f32 v12, v60;
	v10 =	vadd.f32 v14, v10;
	v8 =	vmul.f32 v8, v57  }
0x99: {  	v16 =	vand.u32 $0x7FFFFFFF, v16;
	v39 =	vmin.f32 v11, $1.000000000e+00;
	v38 =	vmul.f32 $5.000000000e-01, v63  }
0x9a: {  	v9 =	vsub.f32 v9, v62;
	v40 =	vmul.f32 v12, v58;
	v8 =	vadd.f32 v8, v10  }
0x9b: {  	v13 =	vand.u32 $0x7FFFFFFF, v13;
	v44 =	vmin.f32 v16, $1.000000000e+00;
	v43 =	vmul.f32 $5.000000000e-01, v39  }
0x9c: {  	v45 =	vsub.f32 v15, v38;
	v9 =	vmul.f32 v9, v61;
	v8 =	vadd.f32 v40, v8  }
0x9d: {  	v19 =	vand.u32 $0x7FFFFFFF, v19;
	v47 =	vmin.f32 v13, $1.000000000e+00;
	v46 =	vmul.f32 $5.000000000e-01, v44  }
0x9e: {  	v49 =	vsub.f32 v11, v43;
	v48 =	vmul.f32 v45, v63;
	v8 =	vadd.f32 v9, v8  }
0x9f: {  	v37 =	vand.u32 $0x7FFFFFFF, v20;
	v50 =	vmul.f32 $5.000000000e-01, v47;
	v51 =	vmin.f32 v19, $1.000000000e+00  }
0xa0: {  	v52 =	vmul.f32 v49, v39;
	v53 =	vsub.f32 v16, v46;
	v8 =	vadd.f32 v48, v8  }
0xa1: {  	v18 =	vand.u32 $0x7FFFFFFF, v18;
	v17 =	vand.u32 $0x7FFFFFFF, v17;
	v54 =	vmul.f32 $5.000000000e-01, v51  }
0xa2: {  	v56 =	vmul.f32 v53, v44;
	v57 =	vsub.f32 v13, v50;
	v8 =	vadd.f32 v52, v8  }
0xa3: {  	v21 =	vand.u32 $0x7FFFFFFF, v21;
	v55 =	vmin.f32 v17, $1.000000000e+00;
	v61 =	vsub.f32 v19, v54  }
0xa4: {  	v58 =	vmul.f32 $5.000000000e-01, v55;
	v60 =	vmul.f32 v57, v47;
	v8 =	vadd.f32 v56, v8  }
0xa5: {  	v63 =	vmin.f32 v18, $1.000000000e+00;
	v25 =	vmul.f32 v61, v51;
	v59 =	vmin.f32 v21, $1.000000000e+00  }
0xa6: {  	v62 =	vmul.f32 $5.000000000e-01, v59;
	v26 =	vsub.f32 v17, v58;
	v8 =	vadd.f32 v60, v8  }
0xa7: {  	v34 =	vmin.f32 v24, $1.000000000e+00;
	v32 =	vmul.f32 $5.000000000e-01, v36;
	v27 =	vmul.f32 $5.000000000e-01, v63  }
0xa8: {  	v39 =	vsub.f32 v21, v62;
	v38 =	vmul.f32 v26, v55;
	v8 =	vadd.f32 v25, v8  }
0xa9: {  	v43 =	vmin.f32 v37, $1.000000000e+00;
	v44 =	vand.u32 $0x7FFFFFFF, v23;
	v46 =	vsub.f32 v18, v27  }
0xaa: {  	v45 =	vmul.f32 v39, v59;
	v40 =	vmul.f32 $5.000000000e-01, v34;
	v8 =	vadd.f32 v38, v8  }
0xab: {  	v53 =	vsub.f32 v29, v35;
	v49 =	vmin.f32 v44, $1.000000000e+00;
	v50 =	vmul.f32 v46, v63  }
0xac: {  	v51 =	vsub.f32 v24, v40;
	v48 =	vmul.f32 $5.000000000e-01, v43;
	v8 =	vadd.f32 v45, v8  }
0xad: {  	v54 =	vmul.f32 $5.000000000e-01, v49;
	v47 =	vadd.f32 v33, v41;
	v52 =	vmul.f32 v42, v28  }
0xae: {  	v55 =	vmul.f32 v51, v34;
	v56 =	vsub.f32 v37, v48;
	v8 =	vadd.f32 v50, v8  }
0xaf: {  	v57 =	vmul.f32 v53, v30;
	v58 =	vsub.f32 v31, v32;
	v11 =	vadd.f32 v52, v47  }
0xb0: {  	v59 =	vmul.f32 v56, v43;
	v60 =	vsub.f32 v44, v54;
	v8 =	vadd.f32 v55, v8  }
0xb1: {  	v61 =	vmul.f32 v58, v36;
	v11 =	vadd.f32 v57, v11  }
0xb2: {  	v62 =	vmul.f32 v60, v49;
	v8 =	vadd.f32 v59, v8  }
0xb3: {  	v63 =	vadd.f32 v61, v11  }
0xb4: {  	v8 =	vadd.f32 v62, v8  }
0xb5: {  	(xrf2) =	vadd.scan.msk.f32 $0xffff, v63  }
0xb6: {  	(xrf2) =	vadd.scan.msk.f32 $0xffff, v8;
	_ =	sdelay $0x8  }
0xb7: {  	v8, _, _ =	vpop (xrf2)  }
0xb8: {  	(v2sf) =	vpush v8, $0xF;
	v8, _, _ =	vpop (xrf2)  }
0xb9: {  	(v2sf) =	vpush v8, $0xF;
	_ =	sdelay $0xa  }
0xba: {  	s17 =	sadd.s32 $0x1, s17  }
0xbb: {  	p0 =	sne.s32 s17, $0x20  }
.Ltmp1:
0xbc: {  	_ = 	snop;
	(pc) =	sbr.rel @p0 .LBB2_2-.Ltmp1, $4  }
0xbd: {  	s30 =	spop (v2sf)  }
0xbe: {  	s18 =	smin.f32 s18, s30;
	s31 =	spop (v2sf)  }
0xbf: {  	s18 =	smin.f32 s18, s31  }
0xc0: {  	s16 =	sadd.s32 $0x100, s16;
	s15 =	sadd.f32 s18, s15  }
0xc1: {  	_ = 	snop  }
0xc2: {  	v8 =	vmov s15  }
0xc3: {  	v8 =	vadd.f32 $0.0e+00, v8;
	_ =	sdelay $0x1  }
0xc4: {  	s14 =	sadd.s32 $0x1, s14;
	v8 =	vbroadcast v8, $0x0  }
0xc5: {  	p0 =	sne.s32 s14, s8  }
.Ltmp2:
0xc6: {  	[tilespmem:$0x6000] =	vst v8;
	(pc) =	sbr.rel @p0 .LBB2_1-.Ltmp2, $4  }
0xc7: {  	[hbm4b:s7+s2] =	stream.linear.scatter [tilespmem:s13], [sflag:$0x1], $0x80, $0x38;
	[tilespmem:$0x6080] =	vst v63  }
0xc8: {  	_ =	swait.ge [sflag:s9], $0x80  }
0xc9: {  	[sflag:s9] =	ssyncset.done $0x0  }
0xca: {  	[sflag:s9] =	ssyncadd.s32 $0xFFFFFF80  }
0xcb: {  	_ =	sfence.sel $0x180000  }
0xcc: {  	[bflag:$0x0] =	sbarrier.arrive $0xFFFF  }
0xcd: {  	p0 =	sne.s32 s0, $0x0;
	_ =	strace $0x90000047  }
0xce: {  	s0 =	sadd.s32 @!p0 $0x100000, s1;
	[bflag:$0x2] =	sbarrier.arrive $0xFFFF  }
0xcf: {  	[sflag:s0] =	ssyncadd.tile.s32 @!p0 $0x1;
	_ =	shalt  }
.Lfunc_end2:
_tile_overlayer_lowered:
.L_overlay_start_2:
0xd0: {  	(tag) =	ssettag $0x2  }
0xd1: {  	s0 =	rddreg [dreg:$0x0];
	s2 =	stileid.u32  }
0xd2: {  	s1 =	rddreg [dreg:$0x1];
	p0 =	sne.s32 s2, $0x0  }
0xd3: {  	s3 =	rddreg [dreg:$0x2];
	[bflag:$0x3] =	sbarrier.arrive $0xFFFF;
	s2 =	simm.s32 @!p0 $0x1C01  }
0xd4: {  	[timem:s3], [sflag:s2] =	dma.local @!p0 [hbm:s0], s1  }
0xd5: {  	s0 =	simm.s32 @!p0 $0x1  }
0xd6: {  	_ =	swait.ge @!p0 [sflag:s0], s1  }
0xd7: {  	s1 =	ssub.s32 @!p0 $0x0, s1;
	[sflag:s0] =	ssyncset.done @!p0 $0x0  }
0xd8: {  	[sflag:s0] =	ssyncadd.s32 @!p0 s1  }
0xd9: {  	[bflag:$0x3] =	sbarrier.arrive $0xFFFF  }
0xda: {  	_ =	shalt  }

</sc_bundles>
